<compile_context>
chip_gen: v7x
topology: tpu7x:2x2x1
jax: 0.10.2.dev20260603
libtpu: 0.0.44.dev20260713+nightly
codegen_flags: <defaults>
</compile_context>

<pallas_src>
import functools

import jax
import jax.numpy as jnp
from jax import lax
from jax.experimental import pallas as pl
from jax.experimental.pallas import tpu as pltpu
from jax.experimental.pallas import tpu_sc as plsc

N_NODES = 10000
D = 128
DH = D // 2
E = 320000
NC = 2
NS = 16
EPS = E // NS
K = 128
CHUNKS = -(-EPS // K)
EPS_PAD = CHUNKS * K
ACC_N = 10240
RPS = ACC_N // NS
CW = 16


def _zero_fill(ref, nrows, ncols):
    z = jnp.zeros((16,), jnp.float32)

    def body(r, carry):
        for c in range(ncols // 16):
            ref[r, pl.ds(c * 16, 16)] = z
        return carry

    lax.fori_loop(0, nrows, body, 0)


def _sc_segment_sum(x0, x1, src_idx, dst_idx):
    mesh = plsc.VectorSubcoreMesh(core_axis_name="c", subcore_axis_name="s")

    @functools.partial(
        pl.kernel,
        mesh=mesh,
        compiler_params=pltpu.CompilerParams(use_tc_tiling_on_sc=False),
        out_type=(
            jax.ShapeDtypeStruct((NC, ACC_N, DH), jnp.float32),
            jax.ShapeDtypeStruct((ACC_N, CW), jnp.float32),
        ),
        scratch_types=[
            pltpu.VMEM((CHUNKS, K), jnp.int32),
            pltpu.VMEM((CHUNKS, K), jnp.int32),
            pltpu.VMEM((K, DH), jnp.float32),
            pltpu.VMEM((K, CW), jnp.float32),
            pltpu.VMEM_SHARED((ACC_N, DH), jnp.float32),
            pltpu.VMEM_SHARED((ACC_N, CW), jnp.float32),
            pltpu.SemaphoreType.DMA,
        ],
    )
    def k(x0_hbm, x1_hbm, src_hbm, dst_hbm, out_sum, out_cnt,
          src_v, dst_v, rows_v, ones_v, acc_sh, cnt_sh, sem):
        cid = lax.axis_index("c")
        sid = lax.axis_index("s")

        pltpu.sync_copy(src_hbm.at[sid], src_v)
        pltpu.sync_copy(dst_hbm.at[sid], dst_v)

        _zero_fill(rows_v, K, DH)
        _zero_fill(ones_v, K, CW)
        base = sid * RPS
        for i in range(RPS // K):
            pltpu.sync_copy(rows_v, acc_sh.at[pl.ds(base + i * K, K)])
            pltpu.sync_copy(ones_v, cnt_sh.at[pl.ds(base + i * K, K)])

        one = jnp.ones((16,), jnp.float32)

        def fill_ones(r, carry):
            ones_v[r, pl.ds(0, 16)] = one
            return carry

        lax.fori_loop(0, K, fill_ones, 0)
        plsc.subcore_barrier()

        def step(j, carry):
            @pl.when(cid == 0)
            def _():
                pltpu.async_copy(x0_hbm.at[src_v.at[j]], rows_v, sem).wait()

            @pl.when(cid == 1)
            def _():
                pltpu.async_copy(x1_hbm.at[src_v.at[j]], rows_v, sem).wait()

            pltpu.sync_copy(rows_v, acc_sh.at[dst_v.at[j]], add=True)

            @pl.when(cid == 0)
            def _():
                pltpu.sync_copy(ones_v, cnt_sh.at[dst_v.at[j]], add=True)

            return carry

        lax.fori_loop(0, CHUNKS, step, 0)
        plsc.subcore_barrier()

        pltpu.sync_copy(acc_sh.at[pl.ds(base, RPS)],
                        out_sum.at[cid, pl.ds(base, RPS)])

        @pl.when(cid == 0)
        def _():
            pltpu.sync_copy(cnt_sh.at[pl.ds(base, RPS)],
                            out_cnt.at[pl.ds(base, RPS)])

    return k(x0, x1, src_idx, dst_idx)


def _tc_combine(x, sums, cnts, W_self, W_neigh, b2d):
    R = 400
    grid = N_NODES // R

    def body(x_ref, s0_ref, s1_ref, c_ref, ws_ref, wn_ref, b_ref, o_ref):
        cnt = jnp.maximum(c_ref[:, 0:1], 1.0)
        mean0 = s0_ref[0] / cnt
        mean1 = s1_ref[0] / cnt
        hi = jax.lax.Precision.HIGHEST
        o_ref[...] = (
            jax.lax.dot(x_ref[...], ws_ref[...], precision=hi,
                        preferred_element_type=jnp.float32)
            + jax.lax.dot(mean0, wn_ref[0:DH, :], precision=hi,
                          preferred_element_type=jnp.float32)
            + jax.lax.dot(mean1, wn_ref[DH:D, :], precision=hi,
                          preferred_element_type=jnp.float32)
            + b_ref[...])

    return pl.pallas_call(
        body,
        grid=(grid,),
        in_specs=[
            pl.BlockSpec((R, D), lambda i: (i, 0)),
            pl.BlockSpec((1, R, DH), lambda i: (0, i, 0)),
            pl.BlockSpec((1, R, DH), lambda i: (1, i, 0)),
            pl.BlockSpec((R, CW), lambda i: (i, 0)),
            pl.BlockSpec((D, D), lambda i: (0, 0)),
            pl.BlockSpec((D, D), lambda i: (0, 0)),
            pl.BlockSpec((1, D), lambda i: (0, 0)),
        ],
        out_specs=pl.BlockSpec((R, D), lambda i: (i, 0)),
        out_shape=jax.ShapeDtypeStruct((N_NODES, D), jnp.float32),
    )(x, sums, sums, cnts, W_self, W_neigh, b2d)


def kernel(x, edge_index, W_self, W_neigh, b):
    src = edge_index[0].astype(jnp.int32).reshape(NS, EPS)
    dst = edge_index[1].astype(jnp.int32).reshape(NS, EPS)
    pad = EPS_PAD - EPS
    src = jnp.pad(src, ((0, 0), (0, pad))).reshape(NS, CHUNKS, K)
    dst = jnp.pad(dst, ((0, 0), (0, pad)),
                  constant_values=N_NODES).reshape(NS, CHUNKS, K)
    x0 = x[:, :DH]
    x1 = x[:, DH:]
    sums, cnts = _sc_segment_sum(x0, x1, src, dst)
    return _tc_combine(x, sums, cnts, W_self, W_neigh, b.reshape(1, D))

# --- scband reference (transcript-rebuilt; emitter-appended) ---
"""Pipeline reference for scband-cpsamonnx-46033459479210 (READ-ONLY COPY).

The authoritative reference and input builder live on the scoring server;
editing this copy changes nothing except your own understanding.
"""

import jax, jax.numpy as jnp
import numpy as np

N_NODES = 10000
N_EDGES = 320000
D_FEAT = 128


def setup_inputs(seed: int = 0) -> dict:
    key = jax.random.key(seed)
    k1, k2, k3, k4 = jax.random.split(key, 4)
    x = jax.random.normal(k1, (N_NODES, D_FEAT), dtype=jnp.float32)
    edge_index = jax.random.randint(k2, (2, N_EDGES), 0, N_NODES, dtype=jnp.int32)
    # learned parameters sized per init_kwargs (in_channels=128, out_channels=128)
    W_self = jax.random.normal(k3, (D_FEAT, D_FEAT), dtype=jnp.float32) * 0.05
    W_neigh = jax.random.normal(k4, (D_FEAT, D_FEAT), dtype=jnp.float32) * 0.05
    b = jnp.zeros((D_FEAT,), dtype=jnp.float32)
    return {"x": x, "edge_index": edge_index, "W_self": W_self, "W_neigh": W_neigh, "b": b}


def reference(x, edge_index, W_self, W_neigh, b):
    # Message passing core mirroring set_extend_centers:
    #   gather neighbor states (Tneigh = T[neighbors]), mask invalid neighbors,
    #   aggregate with a MEAN over incident edges (torch.mean(Tneigh, dim=0)),
    # expressed on an explicit edge list: gather x[src], segment-mean at dst,
    # then apply the learned transforms.
    src = edge_index[0].astype(jnp.int32)
    dst = edge_index[1].astype(jnp.int32)
    n = x.shape[0]
    msgs = jnp.take(x, src, axis=0)                      # gather  [E, d]
    summed = jax.ops.segment_sum(msgs, dst, num_segments=n)   # scatter-add [N, d]
    counts = jax.ops.segment_sum(jnp.ones((msgs.shape[0],), dtype=x.dtype), dst,
                                 num_segments=n)
    mean_aggr = summed / jnp.maximum(counts, 1.0)[:, None]
    out = x @ W_self + mean_aggr @ W_neigh + b
    return out

if __name__ == "__main__":
    import jax
    _d = setup_inputs()
    print(jax.jit(kernel)(*tuple(_d.values())))

</pallas_src>

<mosaic_0001>
#map = affine_map<(d0, d1) -> (0, 0)>
#map1 = affine_map<(d0, d1) -> (0, 0, 0)>
module attributes {stable_mosaic.version = 14 : i64} {
  func.func @k(%arg0: i32, %arg1: i32, %arg2: memref<10000x64xf32, #tpu.memory_space<hbm>>, %arg3: memref<10000x64xf32, #tpu.memory_space<hbm>>, %arg4: memref<16x157x128xi32, #tpu.memory_space<hbm>>, %arg5: memref<16x157x128xi32, #tpu.memory_space<hbm>>, %arg6: memref<2x10240x64xf32, #tpu.memory_space<hbm>>, %arg7: memref<10240x16xf32, #tpu.memory_space<hbm>>, %arg8: memref<157x128xi32, #tpu.memory_space<vmem>>, %arg9: memref<157x128xi32, #tpu.memory_space<vmem>>, %arg10: memref<128x64xf32, #tpu.memory_space<vmem>>, %arg11: memref<128x16xf32, #tpu.memory_space<vmem>>, %arg12: memref<10240x64xf32, #tpu.memory_space<vmem_shared>>, %arg13: memref<10240x16xf32, #tpu.memory_space<vmem_shared>>, %arg14: memref<!tpu.dma_semaphore, #tpu.memory_space<semaphore_mem>>) attributes {dimension_semantics = [#tpu.dimension_semantics<core_parallel>, #tpu.dimension_semantics<subcore_parallel>], iteration_bounds = array<i64: 2, 16>, scalar_prefetch = 0 : i64, scratch_operands = 7 : i64, tpu.core_type = #tpu.core_type<sc_vector_subcore>, window_params = [{transform_indices = #map}, {transform_indices = #map}, {transform_indices = #map1}, {transform_indices = #map1}, {transform_indices = #map1}, {transform_indices = #map}]} {
    "tpu.region"() ({
      %run_scoped3A = tpu.sem_alloc : memref<!tpu.dma_semaphore, #tpu.memory_space<semaphore_mem>>
      %dma_start3A = arith.constant 0 : i32
      %dma_start3A_51 = arith.constant 0 : i32
      %dma_start3A_52 = tpu.memref_slice %arg4[%arg1, %dma_start3A, %dma_start3A_51] : memref<16x157x128xi32, #tpu.memory_space<hbm>> -> memref<1x157x128xi32, #tpu.memory_space<hbm>>
      %dma_start3A_53 = tpu.memref_squeeze %dma_start3A_52 : memref<1x157x128xi32, #tpu.memory_space<hbm>> -> memref<157x128xi32, #tpu.memory_space<hbm>>
      %dma_start3A_54 = arith.constant 0 : i32
      %dma_start3A_55 = arith.constant 0 : i32
      %dma_start3A_56 = tpu.memref_slice %arg4[%arg1, %dma_start3A_54, %dma_start3A_55] : memref<16x157x128xi32, #tpu.memory_space<hbm>> -> memref<1x157x128xi32, #tpu.memory_space<hbm>>
      %dma_start3A_57 = tpu.memref_squeeze %dma_start3A_56 : memref<1x157x128xi32, #tpu.memory_space<hbm>> -> memref<157x128xi32, #tpu.memory_space<hbm>>
      tpu.enqueue_dma source(%dma_start3A_57 : memref<157x128xi32, #tpu.memory_space<hbm>>) target(%arg8 : memref<157x128xi32, #tpu.memory_space<vmem>>) target_semaphore(%run_scoped3A : memref<!tpu.dma_semaphore, #tpu.memory_space<semaphore_mem>>)
      %dma_wait3A = arith.constant 0 : i32
      %dma_wait3A_58 = arith.constant 0 : i32
      %dma_wait3A_59 = tpu.memref_slice %arg4[%arg1, %dma_wait3A, %dma_wait3A_58] : memref<16x157x128xi32, #tpu.memory_space<hbm>> -> memref<1x157x128xi32, #tpu.memory_space<hbm>>
      %dma_wait3A_60 = tpu.memref_squeeze %dma_wait3A_59 : memref<1x157x128xi32, #tpu.memory_space<hbm>> -> memref<157x128xi32, #tpu.memory_space<hbm>>
      %dma_wait3A_61 = arith.constant 0 : i32
      %dma_wait3A_62 = arith.constant 0 : i32
      %dma_wait3A_63 = tpu.memref_slice %arg4[%arg1, %dma_wait3A_61, %dma_wait3A_62] : memref<16x157x128xi32, #tpu.memory_space<hbm>> -> memref<1x157x128xi32, #tpu.memory_space<hbm>>
      %dma_wait3A_64 = tpu.memref_squeeze %dma_wait3A_63 : memref<1x157x128xi32, #tpu.memory_space<hbm>> -> memref<157x128xi32, #tpu.memory_space<hbm>>
      tpu.wait_dma2 semaphore(%run_scoped3A : memref<!tpu.dma_semaphore, #tpu.memory_space<semaphore_mem>>) src(%dma_wait3A_64 : memref<157x128xi32, #tpu.memory_space<hbm>>) dst(%arg8 : memref<157x128xi32, #tpu.memory_space<vmem>>)
      tpu.yield
    }) : () -> ()
    "tpu.region"() ({
      %run_scoped3A = tpu.sem_alloc : memref<!tpu.dma_semaphore, #tpu.memory_space<semaphore_mem>>
      %dma_start3A = arith.constant 0 : i32
      %dma_start3A_51 = arith.constant 0 : i32
      %dma_start3A_52 = tpu.memref_slice %arg5[%arg1, %dma_start3A, %dma_start3A_51] : memref<16x157x128xi32, #tpu.memory_space<hbm>> -> memref<1x157x128xi32, #tpu.memory_space<hbm>>
      %dma_start3A_53 = tpu.memref_squeeze %dma_start3A_52 : memref<1x157x128xi32, #tpu.memory_space<hbm>> -> memref<157x128xi32, #tpu.memory_space<hbm>>
      %dma_start3A_54 = arith.constant 0 : i32
      %dma_start3A_55 = arith.constant 0 : i32
      %dma_start3A_56 = tpu.memref_slice %arg5[%arg1, %dma_start3A_54, %dma_start3A_55] : memref<16x157x128xi32, #tpu.memory_space<hbm>> -> memref<1x157x128xi32, #tpu.memory_space<hbm>>
      %dma_start3A_57 = tpu.memref_squeeze %dma_start3A_56 : memref<1x157x128xi32, #tpu.memory_space<hbm>> -> memref<157x128xi32, #tpu.memory_space<hbm>>
      tpu.enqueue_dma source(%dma_start3A_57 : memref<157x128xi32, #tpu.memory_space<hbm>>) target(%arg9 : memref<157x128xi32, #tpu.memory_space<vmem>>) target_semaphore(%run_scoped3A : memref<!tpu.dma_semaphore, #tpu.memory_space<semaphore_mem>>)
      %dma_wait3A = arith.constant 0 : i32
      %dma_wait3A_58 = arith.constant 0 : i32
      %dma_wait3A_59 = tpu.memref_slice %arg5[%arg1, %dma_wait3A, %dma_wait3A_58] : memref<16x157x128xi32, #tpu.memory_space<hbm>> -> memref<1x157x128xi32, #tpu.memory_space<hbm>>
      %dma_wait3A_60 = tpu.memref_squeeze %dma_wait3A_59 : memref<1x157x128xi32, #tpu.memory_space<hbm>> -> memref<157x128xi32, #tpu.memory_space<hbm>>
      %dma_wait3A_61 = arith.constant 0 : i32
      %dma_wait3A_62 = arith.constant 0 : i32
      %dma_wait3A_63 = tpu.memref_slice %arg5[%arg1, %dma_wait3A_61, %dma_wait3A_62] : memref<16x157x128xi32, #tpu.memory_space<hbm>> -> memref<1x157x128xi32, #tpu.memory_space<hbm>>
      %dma_wait3A_64 = tpu.memref_squeeze %dma_wait3A_63 : memref<1x157x128xi32, #tpu.memory_space<hbm>> -> memref<157x128xi32, #tpu.memory_space<hbm>>
      tpu.wait_dma2 semaphore(%run_scoped3A : memref<!tpu.dma_semaphore, #tpu.memory_space<semaphore_mem>>) src(%dma_wait3A_64 : memref<157x128xi32, #tpu.memory_space<hbm>>) dst(%arg9 : memref<157x128xi32, #tpu.memory_space<vmem>>)
      tpu.yield
    }) : () -> ()
    %broadcast_in_dim3A = arith.constant 0.000000e+00 : f32
    %broadcast_in_dim3A_0 = vector.broadcast %broadcast_in_dim3A : f32 to vector<16xf32>
    %scan3A = arith.constant 0 : i32
    %scan3A_1 = arith.constant 0 : i32
    %scan3A_2 = arith.constant 128 : i32
    %scan3A_3 = arith.addi %scan3A_1, %scan3A_2 : i32
    %scan3A_4 = arith.constant 1 : i32
    scf.for %scan3A_51 = %scan3A_1 to %scan3A_3 step %scan3A_4  : i32 {
      %swap3A = arith.index_cast %scan3A_51 : i32 to index
      %swap3A_52 = arith.constant 0 : index
      %swap3A_53 = tpu.vector_load %arg10[%swap3A, %swap3A_52] {strides = array<i32>} : memref<128x64xf32, #tpu.memory_space<vmem>>, vector<1x16xf32>,
      %swap3A_54 = vector.shape_cast %swap3A_53 : vector<1x16xf32> to vector<16xf32>
      %swap3A_55 = vector.shape_cast %broadcast_in_dim3A_0 : vector<16xf32> to vector<1x16xf32>
      tpu.vector_store %arg10[%swap3A, %swap3A_52], %swap3A_55 {strides = array<i32>} : memref<128x64xf32, #tpu.memory_space<vmem>>, vector<1x16xf32>,
      %swap3A_56 = arith.index_cast %scan3A_51 : i32 to index
      %swap3A_57 = arith.constant 16 : index
      %swap3A_58 = tpu.vector_load %arg10[%swap3A_56, %swap3A_57] {strides = array<i32>} : memref<128x64xf32, #tpu.memory_space<vmem>>, vector<1x16xf32>,
      %swap3A_59 = vector.shape_cast %swap3A_58 : vector<1x16xf32> to vector<16xf32>
      %swap3A_60 = vector.shape_cast %broadcast_in_dim3A_0 : vector<16xf32> to vector<1x16xf32>
      tpu.vector_store %arg10[%swap3A_56, %swap3A_57], %swap3A_60 {strides = array<i32>} : memref<128x64xf32, #tpu.memory_space<vmem>>, vector<1x16xf32>,
      %swap3A_61 = arith.index_cast %scan3A_51 : i32 to index
      %swap3A_62 = arith.constant 32 : index
      %swap3A_63 = tpu.vector_load %arg10[%swap3A_61, %swap3A_62] {strides = array<i32>} : memref<128x64xf32, #tpu.memory_space<vmem>>, vector<1x16xf32>,
      %swap3A_64 = vector.shape_cast %swap3A_63 : vector<1x16xf32> to vector<16xf32>
      %swap3A_65 = vector.shape_cast %broadcast_in_dim3A_0 : vector<16xf32> to vector<1x16xf32>
      tpu.vector_store %arg10[%swap3A_61, %swap3A_62], %swap3A_65 {strides = array<i32>} : memref<128x64xf32, #tpu.memory_space<vmem>>, vector<1x16xf32>,
      %swap3A_66 = arith.index_cast %scan3A_51 : i32 to index
      %swap3A_67 = arith.constant 48 : index
      %swap3A_68 = tpu.vector_load %arg10[%swap3A_66, %swap3A_67] {strides = array<i32>} : memref<128x64xf32, #tpu.memory_space<vmem>>, vector<1x16xf32>,
      %swap3A_69 = vector.shape_cast %swap3A_68 : vector<1x16xf32> to vector<16xf32>
      %swap3A_70 = vector.shape_cast %broadcast_in_dim3A_0 : vector<16xf32> to vector<1x16xf32>
      tpu.vector_store %arg10[%swap3A_66, %swap3A_67], %swap3A_70 {strides = array<i32>} : memref<128x64xf32, #tpu.memory_space<vmem>>, vector<1x16xf32>,
    }
    %scan3A_5 = arith.constant 128 : i32
    %broadcast_in_dim3A_6 = arith.constant 0.000000e+00 : f32
    %broadcast_in_dim3A_7 = vector.broadcast %broadcast_in_dim3A_6 : f32 to vector<16xf32>
    %scan3A_8 = arith.constant 0 : i32
    %scan3A_9 = arith.constant 0 : i32
    %scan3A_10 = arith.constant 128 : i32
    %scan3A_11 = arith.addi %scan3A_9, %scan3A_10 : i32
    %scan3A_12 = arith.constant 1 : i32
    scf.for %scan3A_51 = %scan3A_9 to %scan3A_11 step %scan3A_12  : i32 {
      %swap3A = arith.index_cast %scan3A_51 : i32 to index
      %swap3A_52 = arith.constant 0 : index
      %swap3A_53 = tpu.vector_load %arg11[%swap3A, %swap3A_52] {strides = array<i32>} : memref<128x16xf32, #tpu.memory_space<vmem>>, vector<1x16xf32>,
      %swap3A_54 = vector.shape_cast %swap3A_53 : vector<1x16xf32> to vector<16xf32>
      %swap3A_55 = vector.shape_cast %broadcast_in_dim3A_7 : vector<16xf32> to vector<1x16xf32>
      tpu.vector_store %arg11[%swap3A, %swap3A_52], %swap3A_55 {strides = array<i32>} : memref<128x16xf32, #tpu.memory_space<vmem>>, vector<1x16xf32>,
    }
    %scan3A_13 = arith.constant 128 : i32
    %mul3A = arith.constant 640 : i32
    %mul3A_14 = arith.muli %arg1, %mul3A : i32
    %add3A = arith.constant 0 : i32
    %add3A_15 = arith.addi %mul3A_14, %add3A : i32
    "tpu.region"() ({
      %run_scoped3A = tpu.sem_alloc : memref<!tpu.dma_semaphore, #tpu.memory_space<semaphore_mem>>
      %dma_start3A = arith.constant 0 : i32
      %dma_start3A_51 = tpu.memref_slice %arg12[%add3A_15, %dma_start3A] : memref<10240x64xf32, #tpu.memory_space<vmem_shared>> -> memref<128x64xf32, #tpu.memory_space<vmem_shared>>
      %dma_start3A_52 = arith.constant 0 : i32
      %dma_start3A_53 = tpu.memref_slice %arg12[%add3A_15, %dma_start3A_52] : memref<10240x64xf32, #tpu.memory_space<vmem_shared>> -> memref<128x64xf32, #tpu.memory_space<vmem_shared>>
      tpu.enqueue_dma source(%arg10 : memref<128x64xf32, #tpu.memory_space<vmem>>) target(%dma_start3A_53 : memref<128x64xf32, #tpu.memory_space<vmem_shared>>) target_semaphore(%run_scoped3A : memref<!tpu.dma_semaphore, #tpu.memory_space<semaphore_mem>>)
      %dma_wait3A = arith.constant 0 : i32
      %dma_wait3A_54 = tpu.memref_slice %arg12[%add3A_15, %dma_wait3A] : memref<10240x64xf32, #tpu.memory_space<vmem_shared>> -> memref<128x64xf32, #tpu.memory_space<vmem_shared>>
      %dma_wait3A_55 = arith.constant 0 : i32
      %dma_wait3A_56 = tpu.memref_slice %arg12[%add3A_15, %dma_wait3A_55] : memref<10240x64xf32, #tpu.memory_space<vmem_shared>> -> memref<128x64xf32, #tpu.memory_space<vmem_shared>>
      tpu.wait_dma2 semaphore(%run_scoped3A : memref<!tpu.dma_semaphore, #tpu.memory_space<semaphore_mem>>) src(%arg10 : memref<128x64xf32, #tpu.memory_space<vmem>>) dst(%dma_wait3A_56 : memref<128x64xf32, #tpu.memory_space<vmem_shared>>)
      tpu.yield
    }) : () -> ()
    %add3A_16 = arith.constant 0 : i32
    %add3A_17 = arith.addi %mul3A_14, %add3A_16 : i32
    "tpu.region"() ({
      %run_scoped3A = tpu.sem_alloc : memref<!tpu.dma_semaphore, #tpu.memory_space<semaphore_mem>>
      %dma_start3A = arith.constant 0 : i32
      %dma_start3A_51 = tpu.memref_slice %arg13[%add3A_17, %dma_start3A] : memref<10240x16xf32, #tpu.memory_space<vmem_shared>> -> memref<128x16xf32, #tpu.memory_space<vmem_shared>>
      %dma_start3A_52 = arith.constant 0 : i32
      %dma_start3A_53 = tpu.memref_slice %arg13[%add3A_17, %dma_start3A_52] : memref<10240x16xf32, #tpu.memory_space<vmem_shared>> -> memref<128x16xf32, #tpu.memory_space<vmem_shared>>
      tpu.enqueue_dma source(%arg11 : memref<128x16xf32, #tpu.memory_space<vmem>>) target(%dma_start3A_53 : memref<128x16xf32, #tpu.memory_space<vmem_shared>>) target_semaphore(%run_scoped3A : memref<!tpu.dma_semaphore, #tpu.memory_space<semaphore_mem>>)
      %dma_wait3A = arith.constant 0 : i32
      %dma_wait3A_54 = tpu.memref_slice %arg13[%add3A_17, %dma_wait3A] : memref<10240x16xf32, #tpu.memory_space<vmem_shared>> -> memref<128x16xf32, #tpu.memory_space<vmem_shared>>
      %dma_wait3A_55 = arith.constant 0 : i32
      %dma_wait3A_56 = tpu.memref_slice %arg13[%add3A_17, %dma_wait3A_55] : memref<10240x16xf32, #tpu.memory_space<vmem_shared>> -> memref<128x16xf32, #tpu.memory_space<vmem_shared>>
      tpu.wait_dma2 semaphore(%run_scoped3A : memref<!tpu.dma_semaphore, #tpu.memory_space<semaphore_mem>>) src(%arg11 : memref<128x16xf32, #tpu.memory_space<vmem>>) dst(%dma_wait3A_56 : memref<128x16xf32, #tpu.memory_space<vmem_shared>>)
      tpu.yield
    }) : () -> ()
    %add3A_18 = arith.constant 128 : i32
    %add3A_19 = arith.addi %mul3A_14, %add3A_18 : i32
    "tpu.region"() ({
      %run_scoped3A = tpu.sem_alloc : memref<!tpu.dma_semaphore, #tpu.memory_space<semaphore_mem>>
      %dma_start3A = arith.constant 0 : i32
      %dma_start3A_51 = tpu.memref_slice %arg12[%add3A_19, %dma_start3A] : memref<10240x64xf32, #tpu.memory_space<vmem_shared>> -> memref<128x64xf32, #tpu.memory_space<vmem_shared>>
      %dma_start3A_52 = arith.constant 0 : i32
      %dma_start3A_53 = tpu.memref_slice %arg12[%add3A_19, %dma_start3A_52] : memref<10240x64xf32, #tpu.memory_space<vmem_shared>> -> memref<128x64xf32, #tpu.memory_space<vmem_shared>>
      tpu.enqueue_dma source(%arg10 : memref<128x64xf32, #tpu.memory_space<vmem>>) target(%dma_start3A_53 : memref<128x64xf32, #tpu.memory_space<vmem_shared>>) target_semaphore(%run_scoped3A : memref<!tpu.dma_semaphore, #tpu.memory_space<semaphore_mem>>)
      %dma_wait3A = arith.constant 0 : i32
      %dma_wait3A_54 = tpu.memref_slice %arg12[%add3A_19, %dma_wait3A] : memref<10240x64xf32, #tpu.memory_space<vmem_shared>> -> memref<128x64xf32, #tpu.memory_space<vmem_shared>>
      %dma_wait3A_55 = arith.constant 0 : i32
      %dma_wait3A_56 = tpu.memref_slice %arg12[%add3A_19, %dma_wait3A_55] : memref<10240x64xf32, #tpu.memory_space<vmem_shared>> -> memref<128x64xf32, #tpu.memory_space<vmem_shared>>
      tpu.wait_dma2 semaphore(%run_scoped3A : memref<!tpu.dma_semaphore, #tpu.memory_space<semaphore_mem>>) src(%arg10 : memref<128x64xf32, #tpu.memory_space<vmem>>) dst(%dma_wait3A_56 : memref<128x64xf32, #tpu.memory_space<vmem_shared>>)
      tpu.yield
    }) : () -> ()
    %add3A_20 = arith.constant 128 : i32
    %add3A_21 = arith.addi %mul3A_14, %add3A_20 : i32
    "tpu.region"() ({
      %run_scoped3A = tpu.sem_alloc : memref<!tpu.dma_semaphore, #tpu.memory_space<semaphore_mem>>
      %dma_start3A = arith.constant 0 : i32
      %dma_start3A_51 = tpu.memref_slice %arg13[%add3A_21, %dma_start3A] : memref<10240x16xf32, #tpu.memory_space<vmem_shared>> -> memref<128x16xf32, #tpu.memory_space<vmem_shared>>
      %dma_start3A_52 = arith.constant 0 : i32
      %dma_start3A_53 = tpu.memref_slice %arg13[%add3A_21, %dma_start3A_52] : memref<10240x16xf32, #tpu.memory_space<vmem_shared>> -> memref<128x16xf32, #tpu.memory_space<vmem_shared>>
      tpu.enqueue_dma source(%arg11 : memref<128x16xf32, #tpu.memory_space<vmem>>) target(%dma_start3A_53 : memref<128x16xf32, #tpu.memory_space<vmem_shared>>) target_semaphore(%run_scoped3A : memref<!tpu.dma_semaphore, #tpu.memory_space<semaphore_mem>>)
      %dma_wait3A = arith.constant 0 : i32
      %dma_wait3A_54 = tpu.memref_slice %arg13[%add3A_21, %dma_wait3A] : memref<10240x16xf32, #tpu.memory_space<vmem_shared>> -> memref<128x16xf32, #tpu.memory_space<vmem_shared>>
      %dma_wait3A_55 = arith.constant 0 : i32
      %dma_wait3A_56 = tpu.memref_slice %arg13[%add3A_21, %dma_wait3A_55] : memref<10240x16xf32, #tpu.memory_space<vmem_shared>> -> memref<128x16xf32, #tpu.memory_space<vmem_shared>>
      tpu.wait_dma2 semaphore(%run_scoped3A : memref<!tpu.dma_semaphore, #tpu.memory_space<semaphore_mem>>) src(%arg11 : memref<128x16xf32, #tpu.memory_space<vmem>>) dst(%dma_wait3A_56 : memref<128x16xf32, #tpu.memory_space<vmem_shared>>)
      tpu.yield
    }) : () -> ()
    %add3A_22 = arith.constant 256 : i32
    %add3A_23 = arith.addi %mul3A_14, %add3A_22 : i32
    "tpu.region"() ({
      %run_scoped3A = tpu.sem_alloc : memref<!tpu.dma_semaphore, #tpu.memory_space<semaphore_mem>>
      %dma_start3A = arith.constant 0 : i32
      %dma_start3A_51 = tpu.memref_slice %arg12[%add3A_23, %dma_start3A] : memref<10240x64xf32, #tpu.memory_space<vmem_shared>> -> memref<128x64xf32, #tpu.memory_space<vmem_shared>>
      %dma_start3A_52 = arith.constant 0 : i32
      %dma_start3A_53 = tpu.memref_slice %arg12[%add3A_23, %dma_start3A_52] : memref<10240x64xf32, #tpu.memory_space<vmem_shared>> -> memref<128x64xf32, #tpu.memory_space<vmem_shared>>
      tpu.enqueue_dma source(%arg10 : memref<128x64xf32, #tpu.memory_space<vmem>>) target(%dma_start3A_53 : memref<128x64xf32, #tpu.memory_space<vmem_shared>>) target_semaphore(%run_scoped3A : memref<!tpu.dma_semaphore, #tpu.memory_space<semaphore_mem>>)
      %dma_wait3A = arith.constant 0 : i32
      %dma_wait3A_54 = tpu.memref_slice %arg12[%add3A_23, %dma_wait3A] : memref<10240x64xf32, #tpu.memory_space<vmem_shared>> -> memref<128x64xf32, #tpu.memory_space<vmem_shared>>
      %dma_wait3A_55 = arith.constant 0 : i32
      %dma_wait3A_56 = tpu.memref_slice %arg12[%add3A_23, %dma_wait3A_55] : memref<10240x64xf32, #tpu.memory_space<vmem_shared>> -> memref<128x64xf32, #tpu.memory_space<vmem_shared>>
      tpu.wait_dma2 semaphore(%run_scoped3A : memref<!tpu.dma_semaphore, #tpu.memory_space<semaphore_mem>>) src(%arg10 : memref<128x64xf32, #tpu.memory_space<vmem>>) dst(%dma_wait3A_56 : memref<128x64xf32, #tpu.memory_space<vmem_shared>>)
      tpu.yield
    }) : () -> ()
    %add3A_24 = arith.constant 256 : i32
    %add3A_25 = arith.addi %mul3A_14, %add3A_24 : i32
    "tpu.region"() ({
      %run_scoped3A = tpu.sem_alloc : memref<!tpu.dma_semaphore, #tpu.memory_space<semaphore_mem>>
      %dma_start3A = arith.constant 0 : i32
      %dma_start3A_51 = tpu.memref_slice %arg13[%add3A_25, %dma_start3A] : memref<10240x16xf32, #tpu.memory_space<vmem_shared>> -> memref<128x16xf32, #tpu.memory_space<vmem_shared>>
      %dma_start3A_52 = arith.constant 0 : i32
      %dma_start3A_53 = tpu.memref_slice %arg13[%add3A_25, %dma_start3A_52] : memref<10240x16xf32, #tpu.memory_space<vmem_shared>> -> memref<128x16xf32, #tpu.memory_space<vmem_shared>>
      tpu.enqueue_dma source(%arg11 : memref<128x16xf32, #tpu.memory_space<vmem>>) target(%dma_start3A_53 : memref<128x16xf32, #tpu.memory_space<vmem_shared>>) target_semaphore(%run_scoped3A : memref<!tpu.dma_semaphore, #tpu.memory_space<semaphore_mem>>)
      %dma_wait3A = arith.constant 0 : i32
      %dma_wait3A_54 = tpu.memref_slice %arg13[%add3A_25, %dma_wait3A] : memref<10240x16xf32, #tpu.memory_space<vmem_shared>> -> memref<128x16xf32, #tpu.memory_space<vmem_shared>>
      %dma_wait3A_55 = arith.constant 0 : i32
      %dma_wait3A_56 = tpu.memref_slice %arg13[%add3A_25, %dma_wait3A_55] : memref<10240x16xf32, #tpu.memory_space<vmem_shared>> -> memref<128x16xf32, #tpu.memory_space<vmem_shared>>
      tpu.wait_dma2 semaphore(%run_scoped3A : memref<!tpu.dma_semaphore, #tpu.memory_space<semaphore_mem>>) src(%arg11 : memref<128x16xf32, #tpu.memory_space<vmem>>) dst(%dma_wait3A_56 : memref<128x16xf32, #tpu.memory_space<vmem_shared>>)
      tpu.yield
    }) : () -> ()
    %add3A_26 = arith.constant 384 : i32
    %add3A_27 = arith.addi %mul3A_14, %add3A_26 : i32
    "tpu.region"() ({
      %run_scoped3A = tpu.sem_alloc : memref<!tpu.dma_semaphore, #tpu.memory_space<semaphore_mem>>
      %dma_start3A = arith.constant 0 : i32
      %dma_start3A_51 = tpu.memref_slice %arg12[%add3A_27, %dma_start3A] : memref<10240x64xf32, #tpu.memory_space<vmem_shared>> -> memref<128x64xf32, #tpu.memory_space<vmem_shared>>
      %dma_start3A_52 = arith.constant 0 : i32
      %dma_start3A_53 = tpu.memref_slice %arg12[%add3A_27, %dma_start3A_52] : memref<10240x64xf32, #tpu.memory_space<vmem_shared>> -> memref<128x64xf32, #tpu.memory_space<vmem_shared>>
      tpu.enqueue_dma source(%arg10 : memref<128x64xf32, #tpu.memory_space<vmem>>) target(%dma_start3A_53 : memref<128x64xf32, #tpu.memory_space<vmem_shared>>) target_semaphore(%run_scoped3A : memref<!tpu.dma_semaphore, #tpu.memory_space<semaphore_mem>>)
      %dma_wait3A = arith.constant 0 : i32
      %dma_wait3A_54 = tpu.memref_slice %arg12[%add3A_27, %dma_wait3A] : memref<10240x64xf32, #tpu.memory_space<vmem_shared>> -> memref<128x64xf32, #tpu.memory_space<vmem_shared>>
      %dma_wait3A_55 = arith.constant 0 : i32
      %dma_wait3A_56 = tpu.memref_slice %arg12[%add3A_27, %dma_wait3A_55] : memref<10240x64xf32, #tpu.memory_space<vmem_shared>> -> memref<128x64xf32, #tpu.memory_space<vmem_shared>>
      tpu.wait_dma2 semaphore(%run_scoped3A : memref<!tpu.dma_semaphore, #tpu.memory_space<semaphore_mem>>) src(%arg10 : memref<128x64xf32, #tpu.memory_space<vmem>>) dst(%dma_wait3A_56 : memref<128x64xf32, #tpu.memory_space<vmem_shared>>)
      tpu.yield
    }) : () -> ()
    %add3A_28 = arith.constant 384 : i32
    %add3A_29 = arith.addi %mul3A_14, %add3A_28 : i32
    "tpu.region"() ({
      %run_scoped3A = tpu.sem_alloc : memref<!tpu.dma_semaphore, #tpu.memory_space<semaphore_mem>>
      %dma_start3A = arith.constant 0 : i32
      %dma_start3A_51 = tpu.memref_slice %arg13[%add3A_29, %dma_start3A] : memref<10240x16xf32, #tpu.memory_space<vmem_shared>> -> memref<128x16xf32, #tpu.memory_space<vmem_shared>>
      %dma_start3A_52 = arith.constant 0 : i32
      %dma_start3A_53 = tpu.memref_slice %arg13[%add3A_29, %dma_start3A_52] : memref<10240x16xf32, #tpu.memory_space<vmem_shared>> -> memref<128x16xf32, #tpu.memory_space<vmem_shared>>
      tpu.enqueue_dma source(%arg11 : memref<128x16xf32, #tpu.memory_space<vmem>>) target(%dma_start3A_53 : memref<128x16xf32, #tpu.memory_space<vmem_shared>>) target_semaphore(%run_scoped3A : memref<!tpu.dma_semaphore, #tpu.memory_space<semaphore_mem>>)
      %dma_wait3A = arith.constant 0 : i32
      %dma_wait3A_54 = tpu.memref_slice %arg13[%add3A_29, %dma_wait3A] : memref<10240x16xf32, #tpu.memory_space<vmem_shared>> -> memref<128x16xf32, #tpu.memory_space<vmem_shared>>
      %dma_wait3A_55 = arith.constant 0 : i32
      %dma_wait3A_56 = tpu.memref_slice %arg13[%add3A_29, %dma_wait3A_55] : memref<10240x16xf32, #tpu.memory_space<vmem_shared>> -> memref<128x16xf32, #tpu.memory_space<vmem_shared>>
      tpu.wait_dma2 semaphore(%run_scoped3A : memref<!tpu.dma_semaphore, #tpu.memory_space<semaphore_mem>>) src(%arg11 : memref<128x16xf32, #tpu.memory_space<vmem>>) dst(%dma_wait3A_56 : memref<128x16xf32, #tpu.memory_space<vmem_shared>>)
      tpu.yield
    }) : () -> ()
    %add3A_30 = arith.constant 512 : i32
    %add3A_31 = arith.addi %mul3A_14, %add3A_30 : i32
    "tpu.region"() ({
      %run_scoped3A = tpu.sem_alloc : memref<!tpu.dma_semaphore, #tpu.memory_space<semaphore_mem>>
      %dma_start3A = arith.constant 0 : i32
      %dma_start3A_51 = tpu.memref_slice %arg12[%add3A_31, %dma_start3A] : memref<10240x64xf32, #tpu.memory_space<vmem_shared>> -> memref<128x64xf32, #tpu.memory_space<vmem_shared>>
      %dma_start3A_52 = arith.constant 0 : i32
      %dma_start3A_53 = tpu.memref_slice %arg12[%add3A_31, %dma_start3A_52] : memref<10240x64xf32, #tpu.memory_space<vmem_shared>> -> memref<128x64xf32, #tpu.memory_space<vmem_shared>>
      tpu.enqueue_dma source(%arg10 : memref<128x64xf32, #tpu.memory_space<vmem>>) target(%dma_start3A_53 : memref<128x64xf32, #tpu.memory_space<vmem_shared>>) target_semaphore(%run_scoped3A : memref<!tpu.dma_semaphore, #tpu.memory_space<semaphore_mem>>)
      %dma_wait3A = arith.constant 0 : i32
      %dma_wait3A_54 = tpu.memref_slice %arg12[%add3A_31, %dma_wait3A] : memref<10240x64xf32, #tpu.memory_space<vmem_shared>> -> memref<128x64xf32, #tpu.memory_space<vmem_shared>>
      %dma_wait3A_55 = arith.constant 0 : i32
      %dma_wait3A_56 = tpu.memref_slice %arg12[%add3A_31, %dma_wait3A_55] : memref<10240x64xf32, #tpu.memory_space<vmem_shared>> -> memref<128x64xf32, #tpu.memory_space<vmem_shared>>
      tpu.wait_dma2 semaphore(%run_scoped3A : memref<!tpu.dma_semaphore, #tpu.memory_space<semaphore_mem>>) src(%arg10 : memref<128x64xf32, #tpu.memory_space<vmem>>) dst(%dma_wait3A_56 : memref<128x64xf32, #tpu.memory_space<vmem_shared>>)
      tpu.yield
    }) : () -> ()
    %add3A_32 = arith.constant 512 : i32
    %add3A_33 = arith.addi %mul3A_14, %add3A_32 : i32
    "tpu.region"() ({
      %run_scoped3A = tpu.sem_alloc : memref<!tpu.dma_semaphore, #tpu.memory_space<semaphore_mem>>
      %dma_start3A = arith.constant 0 : i32
      %dma_start3A_51 = tpu.memref_slice %arg13[%add3A_33, %dma_start3A] : memref<10240x16xf32, #tpu.memory_space<vmem_shared>> -> memref<128x16xf32, #tpu.memory_space<vmem_shared>>
      %dma_start3A_52 = arith.constant 0 : i32
      %dma_start3A_53 = tpu.memref_slice %arg13[%add3A_33, %dma_start3A_52] : memref<10240x16xf32, #tpu.memory_space<vmem_shared>> -> memref<128x16xf32, #tpu.memory_space<vmem_shared>>
      tpu.enqueue_dma source(%arg11 : memref<128x16xf32, #tpu.memory_space<vmem>>) target(%dma_start3A_53 : memref<128x16xf32, #tpu.memory_space<vmem_shared>>) target_semaphore(%run_scoped3A : memref<!tpu.dma_semaphore, #tpu.memory_space<semaphore_mem>>)
      %dma_wait3A = arith.constant 0 : i32
      %dma_wait3A_54 = tpu.memref_slice %arg13[%add3A_33, %dma_wait3A] : memref<10240x16xf32, #tpu.memory_space<vmem_shared>> -> memref<128x16xf32, #tpu.memory_space<vmem_shared>>
      %dma_wait3A_55 = arith.constant 0 : i32
      %dma_wait3A_56 = tpu.memref_slice %arg13[%add3A_33, %dma_wait3A_55] : memref<10240x16xf32, #tpu.memory_space<vmem_shared>> -> memref<128x16xf32, #tpu.memory_space<vmem_shared>>
      tpu.wait_dma2 semaphore(%run_scoped3A : memref<!tpu.dma_semaphore, #tpu.memory_space<semaphore_mem>>) src(%arg11 : memref<128x16xf32, #tpu.memory_space<vmem>>) dst(%dma_wait3A_56 : memref<128x16xf32, #tpu.memory_space<vmem_shared>>)
      tpu.yield
    }) : () -> ()
    %broadcast_in_dim3A_34 = arith.constant 1.000000e+00 : f32
    %broadcast_in_dim3A_35 = vector.broadcast %broadcast_in_dim3A_34 : f32 to vector<16xf32>
    %scan3A_36 = arith.constant 0 : i32
    %scan3A_37 = arith.constant 0 : i32
    %scan3A_38 = arith.constant 128 : i32
    %scan3A_39 = arith.addi %scan3A_37, %scan3A_38 : i32
    %scan3A_40 = arith.constant 1 : i32
    scf.for %scan3A_51 = %scan3A_37 to %scan3A_39 step %scan3A_40  : i32 {
      %swap3A = arith.index_cast %scan3A_51 : i32 to index
      %swap3A_52 = arith.constant 0 : index
      %swap3A_53 = tpu.vector_load %arg11[%swap3A, %swap3A_52] {strides = array<i32>} : memref<128x16xf32, #tpu.memory_space<vmem>>, vector<1x16xf32>,
      %swap3A_54 = vector.shape_cast %swap3A_53 : vector<1x16xf32> to vector<16xf32>
      %swap3A_55 = vector.shape_cast %broadcast_in_dim3A_35 : vector<16xf32> to vector<1x16xf32>
      tpu.vector_store %arg11[%swap3A, %swap3A_52], %swap3A_55 {strides = array<i32>} : memref<128x16xf32, #tpu.memory_space<vmem>>, vector<1x16xf32>,
    }
    %scan3A_41 = arith.constant 128 : i32
    %barrier3A = arith.constant 0 : index
    tpu.barrier barrier_id(%barrier3A)
    %scan3A_42 = arith.constant 0 : i32
    %scan3A_43 = arith.constant 0 : i32
    %scan3A_44 = arith.constant 157 : i32
    %scan3A_45 = arith.addi %scan3A_43, %scan3A_44 : i32
    %scan3A_46 = arith.constant 1 : i32
    scf.for %scan3A_51 = %scan3A_43 to %scan3A_45 step %scan3A_46  : i32 {
      %eq3A_52 = arith.constant 0 : i32
      %eq3A_53 = arith.cmpi eq, %arg0, %eq3A_52 : i32
      %convert_element_type3A_54 = arith.extui %eq3A_53 : i1 to i32
      %cond3A_55 = arith.constant 0 : i32
      %cond3A_56 = arith.cmpi ne, %convert_element_type3A_54, %cond3A_55 : i32
      scf.if %cond3A_56 {
        %dma_start3A = arith.constant 0 : i32
        %dma_start3A_67 = tpu.memref_slice %arg8[%scan3A_51, %dma_start3A] : memref<157x128xi32, #tpu.memory_space<vmem>> -> memref<1x128xi32, #tpu.memory_space<vmem>>
        %dma_start3A_68 = tpu.memref_squeeze %dma_start3A_67 : memref<1x128xi32, #tpu.memory_space<vmem>> -> memref<128xi32, #tpu.memory_space<vmem>>
        %dma_start3A_69 = arith.constant 0 : i32
        %dma_start3A_70 = arith.constant 0 : i32
        %dma_start3A_71 = tpu.memref_slice %arg2[%dma_start3A_69, %dma_start3A_70] : memref<10000x64xf32, #tpu.memory_space<hbm>> -> memref<10000x64xf32, #tpu.memory_space<hbm>>
        tpu.enqueue_indirect_dma source(%dma_start3A_71 : memref<10000x64xf32, #tpu.memory_space<hbm>>) target(%arg10 : memref<128x64xf32, #tpu.memory_space<vmem>>) offsets(%dma_start3A_68 : memref<128xi32, #tpu.memory_space<vmem>>) semaphore(%arg14 : memref<!tpu.dma_semaphore, #tpu.memory_space<semaphore_mem>>)
        %dma_wait3A = arith.constant 0 : i32
        %dma_wait3A_72 = tpu.memref_slice %arg8[%scan3A_51, %dma_wait3A] : memref<157x128xi32, #tpu.memory_space<vmem>> -> memref<1x128xi32, #tpu.memory_space<vmem>>
        %dma_wait3A_73 = tpu.memref_squeeze %dma_wait3A_72 : memref<1x128xi32, #tpu.memory_space<vmem>> -> memref<128xi32, #tpu.memory_space<vmem>>
        %dma_wait3A_74 = arith.constant 0 : i32
        %dma_wait3A_75 = arith.constant 0 : i32
        %dma_wait3A_76 = tpu.memref_slice %arg2[%dma_wait3A_74, %dma_wait3A_75] : memref<10000x64xf32, #tpu.memory_space<hbm>> -> memref<10000x64xf32, #tpu.memory_space<hbm>>
        tpu.wait_indirect_dma semaphore(%arg14 : memref<!tpu.dma_semaphore, #tpu.memory_space<semaphore_mem>>) src(%dma_wait3A_76 : memref<10000x64xf32, #tpu.memory_space<hbm>>) dst(%arg10 : memref<128x64xf32, #tpu.memory_space<vmem>>)
      } else {
      }
      %eq3A_57 = arith.constant 1 : i32
      %eq3A_58 = arith.cmpi eq, %arg0, %eq3A_57 : i32
      %convert_element_type3A_59 = arith.extui %eq3A_58 : i1 to i32
      %cond3A_60 = arith.constant 0 : i32
      %cond3A_61 = arith.cmpi ne, %convert_element_type3A_59, %cond3A_60 : i32
      scf.if %cond3A_61 {
        %dma_start3A = arith.constant 0 : i32
        %dma_start3A_67 = tpu.memref_slice %arg8[%scan3A_51, %dma_start3A] : memref<157x128xi32, #tpu.memory_space<vmem>> -> memref<1x128xi32, #tpu.memory_space<vmem>>
        %dma_start3A_68 = tpu.memref_squeeze %dma_start3A_67 : memref<1x128xi32, #tpu.memory_space<vmem>> -> memref<128xi32, #tpu.memory_space<vmem>>
        %dma_start3A_69 = arith.constant 0 : i32
        %dma_start3A_70 = arith.constant 0 : i32
        %dma_start3A_71 = tpu.memref_slice %arg3[%dma_start3A_69, %dma_start3A_70] : memref<10000x64xf32, #tpu.memory_space<hbm>> -> memref<10000x64xf32, #tpu.memory_space<hbm>>
        tpu.enqueue_indirect_dma source(%dma_start3A_71 : memref<10000x64xf32, #tpu.memory_space<hbm>>) target(%arg10 : memref<128x64xf32, #tpu.memory_space<vmem>>) offsets(%dma_start3A_68 : memref<128xi32, #tpu.memory_space<vmem>>) semaphore(%arg14 : memref<!tpu.dma_semaphore, #tpu.memory_space<semaphore_mem>>)
        %dma_wait3A = arith.constant 0 : i32
        %dma_wait3A_72 = tpu.memref_slice %arg8[%scan3A_51, %dma_wait3A] : memref<157x128xi32, #tpu.memory_space<vmem>> -> memref<1x128xi32, #tpu.memory_space<vmem>>
        %dma_wait3A_73 = tpu.memref_squeeze %dma_wait3A_72 : memref<1x128xi32, #tpu.memory_space<vmem>> -> memref<128xi32, #tpu.memory_space<vmem>>
        %dma_wait3A_74 = arith.constant 0 : i32
        %dma_wait3A_75 = arith.constant 0 : i32
        %dma_wait3A_76 = tpu.memref_slice %arg3[%dma_wait3A_74, %dma_wait3A_75] : memref<10000x64xf32, #tpu.memory_space<hbm>> -> memref<10000x64xf32, #tpu.memory_space<hbm>>
        tpu.wait_indirect_dma semaphore(%arg14 : memref<!tpu.dma_semaphore, #tpu.memory_space<semaphore_mem>>) src(%dma_wait3A_76 : memref<10000x64xf32, #tpu.memory_space<hbm>>) dst(%arg10 : memref<128x64xf32, #tpu.memory_space<vmem>>)
      } else {
      }
      "tpu.region"() ({
        %run_scoped3A = tpu.sem_alloc : memref<!tpu.dma_semaphore, #tpu.memory_space<semaphore_mem>>
        %dma_start3A = arith.constant 0 : i32
        %dma_start3A_67 = tpu.memref_slice %arg9[%scan3A_51, %dma_start3A] : memref<157x128xi32, #tpu.memory_space<vmem>> -> memref<1x128xi32, #tpu.memory_space<vmem>>
        %dma_start3A_68 = tpu.memref_squeeze %dma_start3A_67 : memref<1x128xi32, #tpu.memory_space<vmem>> -> memref<128xi32, #tpu.memory_space<vmem>>
        %dma_start3A_69 = arith.constant 0 : i32
        %dma_start3A_70 = arith.constant 0 : i32
        %dma_start3A_71 = tpu.memref_slice %arg12[%dma_start3A_69, %dma_start3A_70] : memref<10240x64xf32, #tpu.memory_space<vmem_shared>> -> memref<10240x64xf32, #tpu.memory_space<vmem_shared>>
        tpu.enqueue_indirect_dma source(%arg10 : memref<128x64xf32, #tpu.memory_space<vmem>>) target(%dma_start3A_71 : memref<10240x64xf32, #tpu.memory_space<vmem_shared>>) offsets(%dma_start3A_68 : memref<128xi32, #tpu.memory_space<vmem>>) semaphore(%run_scoped3A : memref<!tpu.dma_semaphore, #tpu.memory_space<semaphore_mem>>) {add = true}
        %dma_wait3A = arith.constant 0 : i32
        %dma_wait3A_72 = tpu.memref_slice %arg9[%scan3A_51, %dma_wait3A] : memref<157x128xi32, #tpu.memory_space<vmem>> -> memref<1x128xi32, #tpu.memory_space<vmem>>
        %dma_wait3A_73 = tpu.memref_squeeze %dma_wait3A_72 : memref<1x128xi32, #tpu.memory_space<vmem>> -> memref<128xi32, #tpu.memory_space<vmem>>
        %dma_wait3A_74 = arith.constant 0 : i32
        %dma_wait3A_75 = arith.constant 0 : i32
        %dma_wait3A_76 = tpu.memref_slice %arg12[%dma_wait3A_74, %dma_wait3A_75] : memref<10240x64xf32, #tpu.memory_space<vmem_shared>> -> memref<10240x64xf32, #tpu.memory_space<vmem_shared>>
        tpu.wait_indirect_dma semaphore(%run_scoped3A : memref<!tpu.dma_semaphore, #tpu.memory_space<semaphore_mem>>) src(%arg10 : memref<128x64xf32, #tpu.memory_space<vmem>>) dst(%dma_wait3A_76 : memref<10240x64xf32, #tpu.memory_space<vmem_shared>>)
        tpu.yield
      }) : () -> ()
      %eq3A_62 = arith.constant 0 : i32
      %eq3A_63 = arith.cmpi eq, %arg0, %eq3A_62 : i32
      %convert_element_type3A_64 = arith.extui %eq3A_63 : i1 to i32
      %cond3A_65 = arith.constant 0 : i32
      %cond3A_66 = arith.cmpi ne, %convert_element_type3A_64, %cond3A_65 : i32
      scf.if %cond3A_66 {
        "tpu.region"() ({
          %run_scoped3A = tpu.sem_alloc : memref<!tpu.dma_semaphore, #tpu.memory_space<semaphore_mem>>
          %dma_start3A = arith.constant 0 : i32
          %dma_start3A_67 = tpu.memref_slice %arg9[%scan3A_51, %dma_start3A] : memref<157x128xi32, #tpu.memory_space<vmem>> -> memref<1x128xi32, #tpu.memory_space<vmem>>
          %dma_start3A_68 = tpu.memref_squeeze %dma_start3A_67 : memref<1x128xi32, #tpu.memory_space<vmem>> -> memref<128xi32, #tpu.memory_space<vmem>>
          %dma_start3A_69 = arith.constant 0 : i32
          %dma_start3A_70 = arith.constant 0 : i32
          %dma_start3A_71 = tpu.memref_slice %arg13[%dma_start3A_69, %dma_start3A_70] : memref<10240x16xf32, #tpu.memory_space<vmem_shared>> -> memref<10240x16xf32, #tpu.memory_space<vmem_shared>>
          tpu.enqueue_indirect_dma source(%arg11 : memref<128x16xf32, #tpu.memory_space<vmem>>) target(%dma_start3A_71 : memref<10240x16xf32, #tpu.memory_space<vmem_shared>>) offsets(%dma_start3A_68 : memref<128xi32, #tpu.memory_space<vmem>>) semaphore(%run_scoped3A : memref<!tpu.dma_semaphore, #tpu.memory_space<semaphore_mem>>) {add = true}
          %dma_wait3A = arith.constant 0 : i32
          %dma_wait3A_72 = tpu.memref_slice %arg9[%scan3A_51, %dma_wait3A] : memref<157x128xi32, #tpu.memory_space<vmem>> -> memref<1x128xi32, #tpu.memory_space<vmem>>
          %dma_wait3A_73 = tpu.memref_squeeze %dma_wait3A_72 : memref<1x128xi32, #tpu.memory_space<vmem>> -> memref<128xi32, #tpu.memory_space<vmem>>
          %dma_wait3A_74 = arith.constant 0 : i32
          %dma_wait3A_75 = arith.constant 0 : i32
          %dma_wait3A_76 = tpu.memref_slice %arg13[%dma_wait3A_74, %dma_wait3A_75] : memref<10240x16xf32, #tpu.memory_space<vmem_shared>> -> memref<10240x16xf32, #tpu.memory_space<vmem_shared>>
          tpu.wait_indirect_dma semaphore(%run_scoped3A : memref<!tpu.dma_semaphore, #tpu.memory_space<semaphore_mem>>) src(%arg11 : memref<128x16xf32, #tpu.memory_space<vmem>>) dst(%dma_wait3A_76 : memref<10240x16xf32, #tpu.memory_space<vmem_shared>>)
          tpu.yield
        }) : () -> ()
      } else {
      }
    }
    %scan3A_47 = arith.constant 157 : i32
    %barrier3A_48 = arith.constant 0 : index
    tpu.barrier barrier_id(%barrier3A_48)
    "tpu.region"() ({
      %run_scoped3A = tpu.sem_alloc : memref<!tpu.dma_semaphore, #tpu.memory_space<semaphore_mem>>
      %dma_start3A = arith.constant 0 : i32
      %dma_start3A_51 = tpu.memref_slice %arg6[%arg0, %mul3A_14, %dma_start3A] : memref<2x10240x64xf32, #tpu.memory_space<hbm>> -> memref<1x640x64xf32, #tpu.memory_space<hbm>>
      %dma_start3A_52 = tpu.memref_squeeze %dma_start3A_51 : memref<1x640x64xf32, #tpu.memory_space<hbm>> -> memref<640x64xf32, #tpu.memory_space<hbm>>
      %dma_start3A_53 = arith.constant 0 : i32
      %dma_start3A_54 = tpu.memref_slice %arg12[%mul3A_14, %dma_start3A_53] : memref<10240x64xf32, #tpu.memory_space<vmem_shared>> -> memref<640x64xf32, #tpu.memory_space<vmem_shared>>
      tpu.enqueue_dma source(%dma_start3A_54 : memref<640x64xf32, #tpu.memory_space<vmem_shared>>) target(%dma_start3A_52 : memref<640x64xf32, #tpu.memory_space<hbm>>) target_semaphore(%run_scoped3A : memref<!tpu.dma_semaphore, #tpu.memory_space<semaphore_mem>>)
      %dma_wait3A = arith.constant 0 : i32
      %dma_wait3A_55 = tpu.memref_slice %arg6[%arg0, %mul3A_14, %dma_wait3A] : memref<2x10240x64xf32, #tpu.memory_space<hbm>> -> memref<1x640x64xf32, #tpu.memory_space<hbm>>
      %dma_wait3A_56 = tpu.memref_squeeze %dma_wait3A_55 : memref<1x640x64xf32, #tpu.memory_space<hbm>> -> memref<640x64xf32, #tpu.memory_space<hbm>>
      %dma_wait3A_57 = arith.constant 0 : i32
      %dma_wait3A_58 = tpu.memref_slice %arg12[%mul3A_14, %dma_wait3A_57] : memref<10240x64xf32, #tpu.memory_space<vmem_shared>> -> memref<640x64xf32, #tpu.memory_space<vmem_shared>>
      tpu.wait_dma2 semaphore(%run_scoped3A : memref<!tpu.dma_semaphore, #tpu.memory_space<semaphore_mem>>) src(%dma_wait3A_58 : memref<640x64xf32, #tpu.memory_space<vmem_shared>>) dst(%dma_wait3A_56 : memref<640x64xf32, #tpu.memory_space<hbm>>)
      tpu.yield
    }) : () -> ()
    %eq3A = arith.constant 0 : i32
    %eq3A_49 = arith.cmpi eq, %arg0, %eq3A : i32
    %convert_element_type3A = arith.extui %eq3A_49 : i1 to i32
    %cond3A = arith.constant 0 : i32
    %cond3A_50 = arith.cmpi ne, %convert_element_type3A, %cond3A : i32
    scf.if %cond3A_50 {
      "tpu.region"() ({
        %run_scoped3A = tpu.sem_alloc : memref<!tpu.dma_semaphore, #tpu.memory_space<semaphore_mem>>
        %dma_start3A = arith.constant 0 : i32
        %dma_start3A_51 = tpu.memref_slice %arg7[%mul3A_14, %dma_start3A] : memref<10240x16xf32, #tpu.memory_space<hbm>> -> memref<640x16xf32, #tpu.memory_space<hbm>>
        %dma_start3A_52 = arith.constant 0 : i32
        %dma_start3A_53 = tpu.memref_slice %arg13[%mul3A_14, %dma_start3A_52] : memref<10240x16xf32, #tpu.memory_space<vmem_shared>> -> memref<640x16xf32, #tpu.memory_space<vmem_shared>>
        tpu.enqueue_dma source(%dma_start3A_53 : memref<640x16xf32, #tpu.memory_space<vmem_shared>>) target(%dma_start3A_51 : memref<640x16xf32, #tpu.memory_space<hbm>>) target_semaphore(%run_scoped3A : memref<!tpu.dma_semaphore, #tpu.memory_space<semaphore_mem>>)
        %dma_wait3A = arith.constant 0 : i32
        %dma_wait3A_54 = tpu.memref_slice %arg7[%mul3A_14, %dma_wait3A] : memref<10240x16xf32, #tpu.memory_space<hbm>> -> memref<640x16xf32, #tpu.memory_space<hbm>>
        %dma_wait3A_55 = arith.constant 0 : i32
        %dma_wait3A_56 = tpu.memref_slice %arg13[%mul3A_14, %dma_wait3A_55] : memref<10240x16xf32, #tpu.memory_space<vmem_shared>> -> memref<640x16xf32, #tpu.memory_space<vmem_shared>>
        tpu.wait_dma2 semaphore(%run_scoped3A : memref<!tpu.dma_semaphore, #tpu.memory_space<semaphore_mem>>) src(%dma_wait3A_56 : memref<640x16xf32, #tpu.memory_space<vmem_shared>>) dst(%dma_wait3A_54 : memref<640x16xf32, #tpu.memory_space<hbm>>)
        tpu.yield
      }) : () -> ()
    } else {
    }
    return
  }
}

module attributes {stable_mosaic.version = 14 : i64} {
  func.func @body(%arg0: i32, %arg1: memref<400x128xf32, #tpu.memory_space<vmem>>, %arg2: memref<1x400x64xf32, #tpu.memory_space<vmem>>, %arg3: memref<1x400x64xf32, #tpu.memory_space<vmem>>, %arg4: memref<400x16xf32, #tpu.memory_space<vmem>>, %arg5: memref<128x128xf32, #tpu.memory_space<vmem>>, %arg6: memref<128x128xf32, #tpu.memory_space<vmem>>, %arg7: memref<1x128xf32, #tpu.memory_space<vmem>>, %arg8: memref<400x128xf32, #tpu.memory_space<vmem>>) attributes {dimension_semantics = [#tpu.dimension_semantics<arbitrary>], iteration_bounds = array<i64: 25>, scalar_prefetch = 0 : i64, scratch_operands = 0 : i64, tpu.core_type = #tpu.core_type<tc>, window_params = [{transform_indices = @transform_0, window_bounds = array<i64: 400, 128>}, {transform_indices = @transform_1, window_bounds = array<i64: 1, 400, 64>}, {transform_indices = @transform_2, window_bounds = array<i64: 1, 400, 64>}, {transform_indices = @transform_3, window_bounds = array<i64: 400, 16>}, {pipeline_mode = #tpu.pipeline_mode<synchronous>, transform_indices = @transform_4, window_bounds = array<i64: 128, 128>}, {pipeline_mode = #tpu.pipeline_mode<synchronous>, transform_indices = @transform_5, window_bounds = array<i64: 128, 128>}, {pipeline_mode = #tpu.pipeline_mode<synchronous>, transform_indices = @transform_6, window_bounds = array<i64: 1, 128>}, {transform_indices = @transform_7, window_bounds = array<i64: 400, 128>}]} {
    %get3A = arith.constant 0 : index
    %get3A_0 = arith.constant 0 : index
    %get3A_1 = vector.load %arg4[%get3A, %get3A_0] : memref<400x16xf32, #tpu.memory_space<vmem>>, vector<400x1xf32>
    %max3A = arith.constant 1.000000e+00 : f32
    %max3A_2 = vector.broadcast %max3A : f32 to vector<400x1xf32>
    %max3A_3 = arith.maximumf %get3A_1, %max3A_2 : vector<400x1xf32>
    %get3A_4 = arith.constant 0 : index
    %get3A_5 = arith.constant 0 : index
    %get3A_6 = arith.constant 0 : index
    %get3A_7 = vector.load %arg2[%get3A_4, %get3A_5, %get3A_6] : memref<1x400x64xf32, #tpu.memory_space<vmem>>, vector<1x400x64xf32>
    %get3A_8 = vector.shape_cast %get3A_7 : vector<1x400x64xf32> to vector<400x64xf32>
    %div3A = vector.broadcast %max3A_3 : vector<400x1xf32> to vector<400x64xf32>
    %div3A_9 = arith.divf %get3A_8, %div3A : vector<400x64xf32>
    %get3A_10 = arith.constant 0 : index
    %get3A_11 = arith.constant 0 : index
    %get3A_12 = arith.constant 0 : index
    %get3A_13 = vector.load %arg3[%get3A_10, %get3A_11, %get3A_12] : memref<1x400x64xf32, #tpu.memory_space<vmem>>, vector<1x400x64xf32>
    %get3A_14 = vector.shape_cast %get3A_13 : vector<1x400x64xf32> to vector<400x64xf32>
    %div3A_15 = vector.broadcast %max3A_3 : vector<400x1xf32> to vector<400x64xf32>
    %div3A_16 = arith.divf %get3A_14, %div3A_15 : vector<400x64xf32>
    %get3A_17 = arith.constant 0 : index
    %get3A_18 = arith.constant 0 : index
    %get3A_19 = vector.load %arg1[%get3A_17, %get3A_18] : memref<400x128xf32, #tpu.memory_space<vmem>>, vector<400x128xf32>
    %get3A_20 = arith.constant 0 : index
    %get3A_21 = arith.constant 0 : index
    %get3A_22 = vector.load %arg5[%get3A_20, %get3A_21] : memref<128x128xf32, #tpu.memory_space<vmem>>, vector<128x128xf32>
    %dot_general3A = arith.constant dense<0.000000e+00> : vector<400x128xf32>
    %dot_general3A_23 = tpu.matmul %get3A_19, %get3A_22, %dot_general3A {dimension_numbers = #tpu.dot_dimension_numbers<[1], [0], [0], [1], [0, 0, 1, 1], [], []>, precision = #tpu.contract_precision<fp32>, transpose_lhs_hint = false} : vector<400x128xf32>, vector<128x128xf32>, vector<400x128xf32> -> vector<400x128xf32>
    %get3A_24 = arith.constant 0 : index
    %get3A_25 = arith.constant 0 : index
    %get3A_26 = vector.load %arg6[%get3A_24, %get3A_25] : memref<128x128xf32, #tpu.memory_space<vmem>>, vector<64x128xf32>
    %dot_general3A_27 = arith.constant dense<0.000000e+00> : vector<400x128xf32>
    %dot_general3A_28 = tpu.matmul %div3A_9, %get3A_26, %dot_general3A_27 {dimension_numbers = #tpu.dot_dimension_numbers<[1], [0], [0], [1], [0, 0, 1, 1], [], []>, precision = #tpu.contract_precision<fp32>, transpose_lhs_hint = false} : vector<400x64xf32>, vector<64x128xf32>, vector<400x128xf32> -> vector<400x128xf32>
    %add3A = arith.addf %dot_general3A_23, %dot_general3A_28 : vector<400x128xf32>
    %get3A_29 = arith.constant 64 : index
    %get3A_30 = arith.constant 0 : index
    %get3A_31 = vector.load %arg6[%get3A_29, %get3A_30] : memref<128x128xf32, #tpu.memory_space<vmem>>, vector<64x128xf32>
    %dot_general3A_32 = arith.constant dense<0.000000e+00> : vector<400x128xf32>
    %dot_general3A_33 = tpu.matmul %div3A_16, %get3A_31, %dot_general3A_32 {dimension_numbers = #tpu.dot_dimension_numbers<[1], [0], [0], [1], [0, 0, 1, 1], [], []>, precision = #tpu.contract_precision<fp32>, transpose_lhs_hint = false} : vector<400x64xf32>, vector<64x128xf32>, vector<400x128xf32> -> vector<400x128xf32>
    %add3A_34 = arith.addf %add3A, %dot_general3A_33 : vector<400x128xf32>
    %get3A_35 = arith.constant 0 : index
    %get3A_36 = arith.constant 0 : index
    %get3A_37 = vector.load %arg7[%get3A_35, %get3A_36] : memref<1x128xf32, #tpu.memory_space<vmem>>, vector<1x128xf32>
    %add3A_38 = vector.broadcast %get3A_37 : vector<1x128xf32> to vector<400x128xf32>
    %add3A_39 = arith.addf %add3A_34, %add3A_38 : vector<400x128xf32>
    %swap3A = arith.constant 0 : index
    %swap3A_40 = arith.constant 0 : index
    %swap3A_41 = vector.load %arg8[%swap3A, %swap3A_40] : memref<400x128xf32, #tpu.memory_space<vmem>>, vector<400x128xf32>
    tpu.vector_store %arg8[%swap3A, %swap3A_40], %add3A_39 {strides = array<i32>} : memref<400x128xf32, #tpu.memory_space<vmem>>, vector<400x128xf32>,
    return
  }
  func.func @transform_0(%arg0: i32) -> (i32, i32) {
    %c0_i32 = arith.constant 0 : i32
    %c0_i32_0 = arith.constant 0 : i32
    return %arg0, %c0_i32 : i32, i32
  }
  func.func @transform_1(%arg0: i32) -> (i32, i32, i32) {
    %c0_i32 = arith.constant 0 : i32
    %c0_i32_0 = arith.constant 0 : i32
    %c0_i32_1 = arith.constant 0 : i32
    return %c0_i32, %arg0, %c0_i32_0 : i32, i32, i32
  }
  func.func @transform_2(%arg0: i32) -> (i32, i32, i32) {
    %c1_i32 = arith.constant 1 : i32
    %c0_i32 = arith.constant 0 : i32
    %c0_i32_0 = arith.constant 0 : i32
    return %c1_i32, %arg0, %c0_i32 : i32, i32, i32
  }
  func.func @transform_3(%arg0: i32) -> (i32, i32) {
    %c0_i32 = arith.constant 0 : i32
    %c0_i32_0 = arith.constant 0 : i32
    return %arg0, %c0_i32 : i32, i32
  }
  func.func @transform_4(%arg0: i32) -> (i32, i32) {
    %c0_i32 = arith.constant 0 : i32
    %c0_i32_0 = arith.constant 0 : i32
    %c0_i32_1 = arith.constant 0 : i32
    return %c0_i32, %c0_i32_0 : i32, i32
  }
  func.func @transform_5(%arg0: i32) -> (i32, i32) {
    %c0_i32 = arith.constant 0 : i32
    %c0_i32_0 = arith.constant 0 : i32
    %c0_i32_1 = arith.constant 0 : i32
    return %c0_i32, %c0_i32_0 : i32, i32
  }
  func.func @transform_6(%arg0: i32) -> (i32, i32) {
    %c0_i32 = arith.constant 0 : i32
    %c0_i32_0 = arith.constant 0 : i32
    %c0_i32_1 = arith.constant 0 : i32
    return %c0_i32, %c0_i32_0 : i32, i32
  }
  func.func @transform_7(%arg0: i32) -> (i32, i32) {
    %c0_i32 = arith.constant 0 : i32
    %c0_i32_0 = arith.constant 0 : i32
    return %arg0, %c0_i32 : i32, i32
  }
}

</mosaic_0001>

<sc_bundles>
// kernel: kernel.4.cloned.1.call-start
scs
__scs_entry_jumppad:
0x0: {  	(pc) =	sbr.rel $0x88, $3  }
0x1: {  	(tag) =	ssettag $0x0;
	lr =	simm.s32 $0x1  }
0x2: {  	[smem:$0x3F9C] =	sst lr;
	_ =	strace $0xD0000000  }
0x3: {  	_ = 	snop  }
0x4: {  	_ = 	snop  }
0x5: {  	_ = 	snop  }
0x6: {  	_ = 	snop  }
0x7: {  	_ = 	snop  }
__scs_overlays_trampoline_lowered:
0x8: {  	[smem:$0x3FAB] =	sst s0  }
0x9: {  	[smem:$0x3FAC] =	sst s1  }
0xa: {  	[smem:$0x3FAD] =	sst s2  }
0xb: {  	[smem:$0x3FAE] =	sst s3  }
0xc: {  	[smem:$0x3FAF] =	sst s4  }
0xd: {  	[smem:$0x3FB0] =	sst s5  }
0xe: {  	[smem:$0x3FB1] =	sst s6  }
0xf: {  	[smem:$0x3FB2] =	sst s7  }
0x10: {  	[smem:$0x3FB3] =	sst s8  }
0x11: {  	[smem:$0x3FB4] =	sst s9;
	s0 =	simm.s32 @!p0 $0x0  }
0x12: {  	s1 =	sld [smem:$0x3F9A];
	s0 =	simm.s32 @p0 $0x1  }
0x13: {  	[smem:$0x3FB5] =	sst s0;
	s0 =	simm.s32 @!p1 $0x0  }
0x14: {  	s2 =	sld [smem:$0x3F99];
	s0 =	simm.s32 @p1 $0x1  }
0x15: {  	[smem:$0x3FB6] =	sst s0;
	s0 =	simm.s32 @!p2 $0x0  }
0x16: {  	s3 =	sld [smem:$0x3FDB];
	s0 =	simm.s32 @p2 $0x1  }
0x17: {  	s4 =	simm.s32 $0x1BF5;
	[smem:$0x3FB8] =	sst s0  }
0x18: {  	s0 =	sld [smem:$0x3F9B];
	_ =	swait.ge [sflag:s4], $0x0  }
0x19: {  	s7 =	sld [smem:$0x3F9C]  }
0x1a: {  	s8 =	sadd.s32 $0xFFFFE003, lr  }
0x1b: {  	s9 =	sadd.s32 $0xFFFFFEF7, lr;
	s5 =	simm.s32 $0xFFFFFFFF;
	p2 =	slt.u32 s8, $0xFFFFF086  }
0x1c: {  	p1 =	slt.u32 s9, $0xF7A;
	s5 =	simm.s32 @!p2 $0x0  }
0x1d: {  	s5 =	simm.s32 @p1 $0x1;
	p0 =	seq.s32 s7, s2  }
0x1e: {  	s7 =	smul.u32 @!p0 $0xF7A, s2;
	p2 =	seq.s32 @!p0 s5, $0x0  }
0x1f: {  	s9 =	smul.u32 $0xF7A, s1;
	s8 =	simm.s32 @!p0 $0x1BF5;
	p2 =	por !p2, p0  }
0x20: {  	[sflag:s8] =	ssyncset.s32 @!p0 $0xFFFFF086;
	s6 =	sadd.s32 @!p0 s3, s7;
	s7 =	simm.s32 @!p0 $0x108  }
0x21: {  	s3 =	sadd.s32 s3, s9;
	s6 =	sadd.s32 @!p0 $0x88, s6;
	s7 =	simm.s32 @p2 $0x1082  }
0x22: {  	[simem:s7], [sflag:s8] =	dma.local @!p0 [hbm:s6], $0xF7A  }
0x23: {  	s9 =	sor.u32 $0xD0000000, s2;
	s6 =	simm.s32 $0x108;
	_ =	swait.ge @!p0 [sflag:s8], $0x0  }
0x24: {  	s3 =	sadd.s32 $0x88, s3;
	s6 =	simm.s32 @!p1 $0x1082;
	[sflag:s4] =	ssyncset.s32 $0xFFFFF086  }
0x25: {  	[simem:s6], [sflag:s4] =	dma.local [hbm:s3], $0xF7A  }
0x26: {  	[smem:$0x3F9C] =	sst s1;
	(tag) =	ssettag s2;
	_ =	strace s9  }
0x27: {  	s1 =	sld [smem:$0x3FAC]  }
0x28: {  	s2 =	sld [smem:$0x3FAD]  }
0x29: {  	s4 =	sld [smem:$0x3FAF]  }
0x2a: {  	p0 =	seq.s32 s5, $0x0;
	s5 =	sld [smem:$0x3FB0]  }
0x2b: {  	s6 =	sld [smem:$0x3FB1]  }
0x2c: {  	s7 =	sld [smem:$0x3FB2]  }
0x2d: {  	s3 =	simm.s32 $0x108;
	s8 =	sld [smem:$0x3FB3]  }
0x2e: {  	s3 =	simm.s32 @!p0 $0x1082;
	s9 =	sld [smem:$0x3FB4]  }
0x2f: {  	lr =	sadd.s32 s0, s3;
	s0 =	sld [smem:$0x3FAB]  }
0x30: {  	s3 =	sld [smem:$0x3FAE]  }
0x31: {  	[smem:$0x3FB7] =	sst s10  }
0x32: {  	s10 =	sld [smem:$0x3FB5];
	_ =	sdelay $0x3  }
0x33: {  	p0 =	seq.s32 s10, $0x1;
	s10 =	sld [smem:$0x3FB7];
	_ =	sdelay $0x3  }
0x34: {  	[smem:$0x3FB7] =	sst s10  }
0x35: {  	s10 =	sld [smem:$0x3FB6];
	_ =	sdelay $0x3  }
0x36: {  	p1 =	seq.s32 s10, $0x1;
	s10 =	sld [smem:$0x3FB7];
	_ =	sdelay $0x3  }
0x37: {  	[smem:$0x3FB7] =	sst s10  }
0x38: {  	s10 =	sld [smem:$0x3FB8]  }
0x39: {  	_ = 	snop;
	(pc) =	sbr.ind lr, $3  }
0x3a: {  	_ = 	snop  }
0x3b: {  	_ = 	snop  }
0x3c: {  	p2 =	seq.s32 s10, $0x1;
	s10 =	sld [smem:$0x3FB7]  }
0x3d: {  	_ =	shalt  }
0x3e: {  	_ =	shalt  }
0x3f: {  	_ =	shalt  }
0x40: {  	_ =	shalt  }
0x41: {  	_ =	shalt  }
0x42: {  	_ =	shalt  }
0x43: {  	_ =	shalt  }
0x44: {  	_ =	shalt  }
0x45: {  	_ =	shalt  }
0x46: {  	_ =	shalt  }
0x47: {  	_ =	shalt  }
0x48: {  	_ =	shalt  }
0x49: {  	_ =	shalt  }
0x4a: {  	_ =	shalt  }
0x4b: {  	_ =	shalt  }
0x4c: {  	_ =	shalt  }
0x4d: {  	_ =	shalt  }
0x4e: {  	_ =	shalt  }
0x4f: {  	_ =	shalt  }
0x50: {  	_ =	shalt  }
0x51: {  	_ =	shalt  }
0x52: {  	_ =	shalt  }
0x53: {  	_ =	shalt  }
0x54: {  	_ =	shalt  }
0x55: {  	_ =	shalt  }
0x56: {  	_ =	shalt  }
0x57: {  	_ =	shalt  }
0x58: {  	_ =	shalt  }
0x59: {  	_ =	shalt  }
0x5a: {  	_ =	shalt  }
0x5b: {  	_ =	shalt  }
0x5c: {  	_ =	shalt  }
0x5d: {  	_ =	shalt  }
0x5e: {  	_ =	shalt  }
0x5f: {  	_ =	shalt  }
0x60: {  	_ =	shalt  }
0x61: {  	_ =	shalt  }
0x62: {  	_ =	shalt  }
0x63: {  	_ =	shalt  }
0x64: {  	_ =	shalt  }
0x65: {  	_ =	shalt  }
0x66: {  	_ =	shalt  }
0x67: {  	_ =	shalt  }
0x68: {  	_ =	shalt  }
0x69: {  	_ =	shalt  }
0x6a: {  	_ =	shalt  }
0x6b: {  	_ =	shalt  }
0x6c: {  	_ =	shalt  }
0x6d: {  	_ =	shalt  }
0x6e: {  	_ =	shalt  }
0x6f: {  	_ =	shalt  }
0x70: {  	_ =	shalt  }
0x71: {  	_ =	shalt  }
0x72: {  	_ =	shalt  }
0x73: {  	_ =	shalt  }
0x74: {  	_ =	shalt  }
0x75: {  	_ =	shalt  }
0x76: {  	_ =	shalt  }
0x77: {  	_ =	shalt  }
0x78: {  	_ =	shalt  }
0x79: {  	_ =	shalt  }
0x7a: {  	_ =	shalt  }
0x7b: {  	_ =	shalt  }
0x7c: {  	_ =	shalt  }
0x7d: {  	_ =	shalt  }
0x7e: {  	_ =	shalt  }
0x7f: {  	_ =	shalt  }
0x80: {  	_ =	shalt  }
0x81: {  	_ =	shalt  }
0x82: {  	_ =	shalt  }
0x83: {  	_ =	shalt  }
0x84: {  	_ =	shalt  }
0x85: {  	_ =	shalt  }
0x86: {  	_ =	shalt  }
0x87: {  	_ =	shalt  }
.Lfunc_end0:
.L_simem_size_0:
called_computation_lowered:
.L_overlay_start_0:
0x88: {  	s2 =	sld [smem:$0x3FD9]  }
0x89: {  	s3 =	sld [smem:$0x3FFE];
	_ =	sdelay $0x1  }
0x8a: {  	s1 =	srdreg.scid  }
0x8b: {  	s0 =	sand.u32 $0x1, s1  }
0x8c: {  	s17 =	sshll.u32 s0, $0xA;
	s2 =	sadd.s32 s3, s2  }
0x8d: {  	s2 =	sadd.s32 s2, s17  }
0x8e: {  	[smem:$0x3FC3] =	sst s2  }
0x8f: {  	_ = 	snop  }
0x90: {  	s2 =	sld [smem:$0x3FD0];
	(tm) =	ssettm $0x1  }
0x91: {  	s18 =	sld [smem:$0x3FFB];
	_ =	sdelay $0x3  }
0x92: {  	_ =	strace s18  }
0x93: {  	s3 =	sld [smem:$0x3FFC];
	_ =	sdelay $0x3  }
0x94: {  	_ =	strace s3  }
0x95: {  	s3 =	sld [smem:$0x3FFD];
	_ =	sdelay $0x3  }
0x96: {  	_ =	strace s3  }
0x97: {  	_ =	strace $0x8FFFFFFF  }
0x98: {  	s19 =	sld [smem:$0x3FDB];
	_ =	sdelay $0x1  }
0x99: {  	s4 =	simm.s32 $_scs_section_size  }
0x9a: {  	s5 =	simm.s32 $_size__tile_overlayer_lowered;
	s6 =	simm.s32 $_tile_overlayer_lowered  }
0x9b: {  	s22 =	simm.s32 $0x1BFF;
	s21 =	sshll.u32 s6, $0x1;
	s3 =	sadd.s32 s4, s19  }
0x9c: {  	s7 =	simm.s32 $0x0;
	s20 =	sshll.u32 s5, $0x1;
	s5 =	sadd.s32 s21, s3  }
0x9d: {  	[timem:s7], [sflag:s22] =	dma.local [hbm:s5], s20  }
0x9e: {  	_ =	swait.ge [sflag:s22], s20  }
0x9f: {  	s4 =	ssub.s32 $0x0, s20;
	[sflag:s22] =	ssyncset.done $0x0  }
0xa0: {  	[sflag:s22] =	ssyncadd.s32 s4;
	_ =	sdelay $0x1  }
0xa1: {  	s23 =	simm.s32 $0x1B8B  }
0xa2: {  	_ =	swait.ge [sflag:s23], $0x1  }
0xa3: {  	[sflag:s23] =	ssyncset.done $0x0  }
0xa4: {  	s25 =	simm.s32 $0x1B8E;
	s24 =	sld [smem:$0x3FFE];
	[sflag:s23] =	ssyncadd.s32 $0xFFFFFFFF  }
0xa5: {  	s26 =	simm.s32 $execute0_lowered;
	[smem:$0x3FD2] =	sst s25  }
0xa6: {  	s5 =	sshll.u32 s26, $0x1;
	_ =	strace $0x80000046;
	[dreg:$0x1] =	wrdreg $0xFFFFFFFF  }
0xa7: {  	s28 =	simm.s32 $_size_execute0_lowered;
	s3 =	sadd.s32 s3, s5;
	[dreg:$0x0] =	wrdreg $0x0  }
0xa8: {  	s5 =	sshll.u32 s28, $0x1;
	[dreg:$0x2] =	wrdreg s3  }
0xa9: {  	[dreg:$0x3] =	wrdreg s5  }
0xaa: {  	[dreg:$0x4] =	wrdreg $0xC0  }
0xab: {  	_ =	task [dreg:s7], $0x5FFFF  }
0xac: {  	[dreg:$0x1] =	wrdreg $0xFFFFFFFF  }
0xad: {  	[dreg:$0x0] =	wrdreg $0x60  }
0xae: {  	[dreg:$0x2] =	wrdreg s2  }
0xaf: {  	[dreg:$0x3] =	wrdreg s24  }
0xb0: {  	[dreg:$0x4] =	wrdreg $0xC5000  }
0xb1: {  	[dreg:$0x5] =	wrdreg $0x165000  }
0xb2: {  	[dreg:$0x6] =	wrdreg $0x9  }
0xb3: {  	_ =	task.clear_ibuf [dreg:s7], $0x7FFFF;
	_ =	strace $0x90000046  }
0xb4: {  	s29 =	simm.s32 $0x9;
	_ =	strace $0x80000048  }
0xb5: {  	_ =	swait.ge [sflag:s29], $0x1  }
0xb6: {  	[sflag:s29] =	ssyncadd.s32 $0xFFFFFFFF  }
0xb7: {  	_ =	strace $0x90000048  }
0xb8: {  	_ =	sfence  }
0xb9: {  	s30 =	sld [smem:$0x0];
	_ =	sdelay $0x2  }
0xba: {  	s31 =	sshll.u32 s1, $0xD;
	s1 =	sshrl.u32 s1, $0x2  }
0xbb: {  	s3 =	sand.u32 $0x4000, s31;
	s1 =	sadd.s32 s1, s30  }
0xbc: {  	s0 =	sor.u32 s3, s0;
	s1 =	sshll.u32 s1, $0x11  }
0xbd: {  	s0 =	sor.u32 s1, s0  }
0xbe: {  	s0 =	sadd.s32 $0x8F2B, s0  }
0xbf: {  	[sflag:s0] =	ssyncadd.remote.s32 $0x1  }
0xc0: {  	_ =	sfence.sel $0xFFFF  }
0xc1: {  	[dreg:$0x0] =	wrdreg $0xFFFFFFFF;
	(pc) =	sbr.abs _section_cstart, $3  }
0xc2: {  	[dreg:$0x1] =	wrdreg $0xFFFFFFFF  }
0xc3: {  	_ =	task.clear_ibuf [dreg:s7], $0x2FFFF;
	_ =	strace $0x9FFFFFFF  }
0xc4: {  	(tm) =	ssettm $0x7FFFFFFF  }
0xc5: {  	_ =	shalt  }
tec
execute0_lowered:
.L_overlay_start_1:
0x0: {  	(tag) =	ssettag $0x1  }
0x1: {  	s0 =	rddreg [dreg:$0x0]  }
0x2: {  	s1 =	rddreg [dreg:$0x1]  }
0x3: {  	s2 =	rddreg [dreg:$0x2];
	s11 =	stileid.u32  }
0x4: {  	s4 =	srdreg.scid;
	s8 =	smul.u32 $0xA000, s11  }
0x5: {  	s3 =	rddreg [dreg:$0x3];
	s6 =	smul.u32 $0x9D0, s11  }
0x6: {  	s19 =	simm.s32 $0x0;
	s28 =	simm.s32 $0x3;
	s9 =	smul.u32 $0x2800, s11  }
0x7: {  	s22 =	sand.u32 $0x1, s4;
	[smem:$0x7FF] =	sst s19;
	s14 =	smul.u32 $0x280, s11  }
0x8: {  	s29 =	simm.s32 $0x0;
	s5 =	smul.u32 $0xA0000, s22;
	_ =	strace $0x80000047  }
0x9: {  	s23 =	ssub.s32 $0x2, s22;
	p0 =	seq.s32 s22, $0x0;
	s10 =	sadd.s32 s6, s1  }
0xa: {  	s21 =	sshrl.u32 s9, $0x3;
	s24 =	sshrl.u32 s23, $0x1;
	s9 =	sadd.s32 s9, s3  }
0xb: {  	s25 =	sadd.s32 $0x80, s14;
	s13 =	sadd.s32 $0x100, s14;
	s15 =	sadd.s32 $0x180, s14  }
0xc: {  	s17 =	sadd.s32 $0x200, s14;
	s7 =	sadd.s32 s8, s5;
	s5 =	sadd.s32 $0x1400, s1  }
0xd: {  	s6 =	sadd.s32 $0x1EC00, s10;
	s8 =	sadd.s32 s8, s2;
	s26 =	sshll.u32 s25, $0x6  }
0xe: {  	s12 =	sshll.u32 s25, $0x4;
	s30 =	sshll.u32 s13, $0x6;
	s13 =	sshll.u32 s13, $0x4  }
0xf: {  	s16 =	sshll.u32 s15, $0x6;
	s15 =	sshll.u32 s15, $0x4;
	s31 =	sshll.u32 s17, $0x6  }
0x10: {  	s17 =	sshll.u32 s17, $0x4;
	s25 =	simm.s32 $0x80;
	s20 =	sshrl.u32 s7, $0x3  }
0x11: {  	s7 =	sadd.s32 $0x14E00, s10;
	s10 =	sadd.s32 s26, s2;
	s11 =	sadd.s32 s12, s3  }
0x12: {  	s12 =	sadd.s32 s30, s2;
	s13 =	sadd.s32 s13, s3;
	s14 =	sadd.s32 s16, s2  }
0x13: {  	s15 =	sadd.s32 s15, s3;
	s16 =	sadd.s32 s31, s2;
	s17 =	sadd.s32 s17, s3  }
0x14: {  	s5 =	smov.u32 @p0 s0;
	p0 =	sne.s32 s22, $0x0;
	s26 =	simm.s32 $0x1  }
0x15: {  	s18 =	sadd.s32 s20, s1;
	s1 =	sadd.s32 s21, s1;
	s20 =	ssub.s32 s23, s24  }
0x16: {  	s21 =	simm.s32 $0x2;
	s23 =	simm.s32 $0x9D00;
	s24 =	simm.s32 $0xBD00  }
0x17: {  	v0 =	vimm.f32 $0.0e+00;
	v1 =	vimm.f32 $1.000000000e+00;
	s18 =	sadd.s32 $0x28A00, s18;
	s19 =	sadd.s32 $0x50A00, s1;
	s20 =	smax.u32 s20, $0x1  }
.LBB2_1:
0x18: {  	s0 =	simm.s32 $0x0  }
0x19: {  	[tilespmem:s0], [sflag:$0x2] =	stream.linear.gather [hbm4b:s6+s0], $0x4E80, $0x38;
	[tilespmem:$0x18D00] =	vst v63  }
0x1a: {  	_ =	swait.ge [sflag:s21], $0x4E80  }
0x1b: {  	[sflag:s21] =	ssyncset.done $0x0  }
0x1c: {  	s1 =	simm.s32 $0x4E80;
	[sflag:s21] =	ssyncadd.s32 $0xFFFFB180  }
0x1d: {  	[tilespmem:s1], [sflag:$0x2] =	stream.linear.gather [hbm4b:s7+s0], $0x4E80, $0x38;
	[tilespmem:$0x18D00] =	vst v63  }
0x1e: {  	_ =	swait.ge [sflag:s21], $0x4E80  }
0x1f: {  	[sflag:s21] =	ssyncset.done $0x0  }
0x20: {  	s0 =	simm.s32 $0x0;
	[sflag:s21] =	ssyncadd.s32 $0xFFFFB180  }
.LBB2_2:
0x21: {  	p1 =	sne.s32 s0, $0x7F00  }
.Ltmp0:
0x22: {  	s1 =	sshra.s32 s0, $0x2;
	(pc) =	sbr.rel @p1 .LBB2_2-.Ltmp0, $4  }
0x23: {  	[tilespmem:s1+$0x9D00] =	vst v0  }
0x24: {  	[tilespmem:s1+$0x9D10] =	vst v0  }
0x25: {  	[tilespmem:s1+$0x9D20] =	vst v0  }
0x26: {  	s0 =	sadd.s32 $0x100, s0;
	[tilespmem:s1+$0x9D30] =	vst v0  }
0x27: {  	s0 =	simm.s32 $0x40;
	s1 =	simm.s32 $0x0  }
.LBB2_4:
0x28: {  	p1 =	sne.s32 s0, $0x1FC0;
	[tilespmem:s1+$0xBD00] =	vst v0;
	s1 =	smov.u32 s0;
	s0 =	sadd.s32 $0x40, s0  }
.Ltmp1:
0x29: {  	(pc) =	sbr.rel @p1 .LBB2_4-.Ltmp1, $2  }
0x2a: {  	_ =	sdelay $0x2  }
0x2b: {  	s1 =	sshra.s32 s1, $0x2  }
0x2c: {  	[tilespmem:s1+$0xBD00] =	vst v0  }
0x2d: {  	[spmem:s8] =	stream.linear.scatter [tilespmem:s23], [sflag:$0x2], $0x2000, $0x38;
	[tilespmem:$0x18D00] =	vst v63  }
0x2e: {  	_ =	swait.ge [sflag:s21], $0x2000  }
0x2f: {  	[sflag:s21] =	ssyncset.done $0x0  }
0x30: {  	[sflag:s21] =	ssyncadd.s32 $0xFFFFE000  }
0x31: {  	[spmem:s9] =	stream.linear.scatter [tilespmem:s24], [sflag:$0x2], $0x800, $0x38;
	[tilespmem:$0x18D00] =	vst v63  }
0x32: {  	_ =	swait.ge [sflag:s21], $0x800  }
0x33: {  	[sflag:s21] =	ssyncset.done $0x0  }
0x34: {  	[sflag:s21] =	ssyncadd.s32 $0xFFFFF800  }
0x35: {  	[spmem:s10] =	stream.linear.scatter [tilespmem:s23], [sflag:$0x2], $0x2000, $0x38;
	[tilespmem:$0x18D00] =	vst v63  }
0x36: {  	_ =	swait.ge [sflag:s21], $0x2000  }
0x37: {  	[sflag:s21] =	ssyncset.done $0x0  }
0x38: {  	[sflag:s21] =	ssyncadd.s32 $0xFFFFE000  }
0x39: {  	[spmem:s11] =	stream.linear.scatter [tilespmem:s24], [sflag:$0x2], $0x800, $0x38;
	[tilespmem:$0x18D00] =	vst v63  }
0x3a: {  	_ =	swait.ge [sflag:s21], $0x800  }
0x3b: {  	[sflag:s21] =	ssyncset.done $0x0  }
0x3c: {  	[sflag:s21] =	ssyncadd.s32 $0xFFFFF800  }
0x3d: {  	[spmem:s12] =	stream.linear.scatter [tilespmem:s23], [sflag:$0x2], $0x2000, $0x38;
	[tilespmem:$0x18D00] =	vst v63  }
0x3e: {  	_ =	swait.ge [sflag:s21], $0x2000  }
0x3f: {  	[sflag:s21] =	ssyncset.done $0x0  }
0x40: {  	[sflag:s21] =	ssyncadd.s32 $0xFFFFE000  }
0x41: {  	[spmem:s13] =	stream.linear.scatter [tilespmem:s24], [sflag:$0x2], $0x800, $0x38;
	[tilespmem:$0x18D00] =	vst v63  }
0x42: {  	_ =	swait.ge [sflag:s21], $0x800  }
0x43: {  	[sflag:s21] =	ssyncset.done $0x0  }
0x44: {  	[sflag:s21] =	ssyncadd.s32 $0xFFFFF800  }
0x45: {  	[spmem:s14] =	stream.linear.scatter [tilespmem:s23], [sflag:$0x2], $0x2000, $0x38;
	[tilespmem:$0x18D00] =	vst v63  }
0x46: {  	_ =	swait.ge [sflag:s21], $0x2000  }
0x47: {  	[sflag:s21] =	ssyncset.done $0x0  }
0x48: {  	[sflag:s21] =	ssyncadd.s32 $0xFFFFE000  }
0x49: {  	[spmem:s15] =	stream.linear.scatter [tilespmem:s24], [sflag:$0x2], $0x800, $0x38;
	[tilespmem:$0x18D00] =	vst v63  }
0x4a: {  	_ =	swait.ge [sflag:s21], $0x800  }
0x4b: {  	[sflag:s21] =	ssyncset.done $0x0  }
0x4c: {  	[sflag:s21] =	ssyncadd.s32 $0xFFFFF800  }
0x4d: {  	[spmem:s16] =	stream.linear.scatter [tilespmem:s23], [sflag:$0x2], $0x2000, $0x38;
	[tilespmem:$0x18D00] =	vst v63  }
0x4e: {  	_ =	swait.ge [sflag:s21], $0x2000  }
0x4f: {  	[sflag:s21] =	ssyncset.done $0x0  }
0x50: {  	[sflag:s21] =	ssyncadd.s32 $0xFFFFE000  }
0x51: {  	[spmem:s17] =	stream.linear.scatter [tilespmem:s24], [sflag:$0x2], $0x800, $0x38;
	[tilespmem:$0x18D00] =	vst v63  }
0x52: {  	_ =	swait.ge [sflag:s21], $0x800  }
0x53: {  	[sflag:s21] =	ssyncset.done $0x0  }
0x54: {  	s0 =	simm.s32 $0x40;
	s1 =	simm.s32 $0x0;
	[sflag:s21] =	ssyncadd.s32 $0xFFFFF800  }
.LBB2_6:
0x55: {  	p1 =	sne.s32 s0, $0x1FC0;
	[tilespmem:s1+$0xBD00] =	vst v1;
	s1 =	smov.u32 s0;
	s0 =	sadd.s32 $0x40, s0  }
.Ltmp2:
0x56: {  	(pc) =	sbr.rel @p1 .LBB2_6-.Ltmp2, $2  }
0x57: {  	_ =	sdelay $0x2  }
0x58: {  	s1 =	sshra.s32 s1, $0x2  }
0x59: {  	[tilespmem:s1+$0xBD00] =	vst v1  }
0x5a: {  	s0 =	simm.s32 $0x0;
	[bflag:$0x0] =	sbarrier.arrive $0xFFFF  }
0x5b: {  	[tilespmem:s23], [sflag:$0x1] =	stream.indirect.gather [hbm4b:s5+s25], $0x40, s0, s25, $0xb8;
	[tilespmem:$0x18D00] =	vst v63  }
0x5c: {  	_ =	swait.ge [sflag:s26], $0x2000  }
0x5d: {  	[sflag:s26] =	ssyncset.done $0x0  }
0x5e: {  	s0 =	simm.s32 $0x4E80;
	[sflag:s26] =	ssyncadd.s32 $0xFFFFE000  }
0x5f: {  	[spmem:s2] =	stream.indirect.scatter.add.f32 [tilespmem:s23], [sflag:$0x3], $0x40, s0, s25, $0xb8;
	[tilespmem:$0x18D00] =	vst v63  }
0x60: {  	_ =	swait.ge [sflag:s28], $0x2000  }
0x61: {  	s30 =	simm.s32 @!p0 $0x2;
	[sflag:s28] =	ssyncset.done $0x0  }
0x62: {  	s31 =	simm.s32 @!p0 $0x80;
	s1 =	simm.s32 @!p0 $0xBD00;
	[sflag:s28] =	ssyncadd.s32 $0xFFFFE000  }
0x63: {  	[spmem:s3] =	stream.indirect.scatter.add.f32 @!p0 [tilespmem:s1], [sflag:$0x2], $0x10, s0, s31, $0xb8;
	[tilespmem:$0x18D00] =	vst v63  }
0x64: {  	_ =	swait.ge @!p0 [sflag:s30], $0x800  }
0x65: {  	s22 =	simm.s32 $0x400;
	s0 =	simm.s32 $0x200;
	[sflag:s30] =	ssyncset.done @!p0 $0x0  }
.LBB2_8:
0x66: {  	s4 =	sshra.s32 s0, $0x2  }
0x67: {  	[sflag:s30] =	ssyncadd.s32 @!p0 $0xFFFFF800;
	s0 =	smov.u32 s22;
	s22 =	sadd.s32 $0x200, s22  }
0x68: {  	[tilespmem:s23], [sflag:$0x1] =	stream.indirect.gather [hbm4b:s5+s25], $0x40, s4, s25, $0xb8;
	[tilespmem:$0x18D00] =	vst v63  }
0x69: {  	p1 =	sne.s32 s22, $0x13A00;
	_ =	swait.ge [sflag:s26], $0x2000  }
0x6a: {  	[sflag:s26] =	ssyncset.done $0x0  }
0x6b: {  	s4 =	sadd.s32 $0x4E80, s4;
	[sflag:s26] =	ssyncadd.s32 $0xFFFFE000  }
0x6c: {  	[spmem:s2] =	stream.indirect.scatter.add.f32 [tilespmem:s23], [sflag:$0x3], $0x40, s4, s25, $0xb8;
	[tilespmem:$0x18D00] =	vst v63  }
0x6d: {  	_ =	swait.ge [sflag:s28], $0x2000  }
.Ltmp3:
0x6e: {  	[sflag:s28] =	ssyncset.done $0x0;
	(pc) =	sbr.rel @p1 .LBB2_8-.Ltmp3, $4  }
0x6f: {  	[sflag:s28] =	ssyncadd.s32 $0xFFFFE000  }
0x70: {  	[spmem:s3] =	stream.indirect.scatter.add.f32 @!p0 [tilespmem:s1], [sflag:$0x2], $0x10, s4, s31, $0xb8;
	[tilespmem:$0x18D00] =	vst v63  }
0x71: {  	_ =	swait.ge @!p0 [sflag:s30], $0x800  }
0x72: {  	[sflag:s30] =	ssyncset.done @!p0 $0x0  }
0x73: {  	s0 =	sshra.s32 s0, $0x2;
	[sflag:s30] =	ssyncadd.s32 @!p0 $0xFFFFF800  }
0x74: {  	[tilespmem:s23], [sflag:$0x1] =	stream.indirect.gather [hbm4b:s5+s25], $0x40, s0, s25, $0xb8;
	[tilespmem:$0x18D00] =	vst v63  }
0x75: {  	_ =	swait.ge [sflag:s26], $0x2000  }
0x76: {  	[sflag:s26] =	ssyncset.done $0x0  }
0x77: {  	s0 =	sadd.s32 $0x4E80, s0;
	[sflag:s26] =	ssyncadd.s32 $0xFFFFE000  }
0x78: {  	[spmem:s2] =	stream.indirect.scatter.add.f32 [tilespmem:s23], [sflag:$0x3], $0x40, s0, s25, $0xb8;
	[tilespmem:$0x18D00] =	vst v63  }
0x79: {  	_ =	swait.ge [sflag:s28], $0x2000  }
0x7a: {  	s1 =	simm.s32 @!p0 $0x2;
	[sflag:s28] =	ssyncset.done $0x0  }
0x7b: {  	s4 =	simm.s32 @!p0 $0x80;
	s22 =	simm.s32 @!p0 $0xBD00;
	[sflag:s28] =	ssyncadd.s32 $0xFFFFE000  }
0x7c: {  	[spmem:s3] =	stream.indirect.scatter.add.f32 @!p0 [tilespmem:s22], [sflag:$0x2], $0x10, s0, s4, $0xb8;
	[tilespmem:$0x18D00] =	vst v63  }
0x7d: {  	_ =	swait.ge @!p0 [sflag:s1], $0x800  }
0x7e: {  	s30 =	stileid.u32;
	[sflag:s1] =	ssyncset.done @!p0 $0x0  }
0x7f: {  	s0 =	sshll.u32 s30, $0x6;
	[sflag:s1] =	ssyncadd.s32 @!p0 $0xFFFFF800  }
0x80: {  	s31 =	sshrl.u32 s8, $0x3;
	s0 =	sor.u32 $0x1C02, s0;
	[bflag:$0x0] =	sbarrier.arrive $0xFFFF  }
0x81: {  	[hbm:s18], [sflag:s0] =	dma.local [spmem:s31], $0x1400  }
0x82: {  	s29 =	sadd.s32 $0x1, s29;
	_ =	swait.ge [sflag:s21], $0x1400  }
0x83: {  	p1 =	sne.s32 s29, s20;
	[sflag:s21] =	ssyncset.done $0x0  }
.Ltmp4:
0x84: {  	s4 =	sshrl.u32 @!p0 s9, $0x3;
	[sflag:s21] =	ssyncadd.s32 $0xFFFFEC00;
	(pc) =	sbr.rel @p1 .LBB2_1-.Ltmp4, $4  }
0x85: {  	[hbm:s19], [sflag:s0] =	dma.local @!p0 [spmem:s4], $0x500  }
0x86: {  	_ =	swait.ge @!p0 [sflag:s1], $0x500  }
0x87: {  	[sflag:s1] =	ssyncset.done @!p0 $0x0  }
0x88: {  	[sflag:s1] =	ssyncadd.s32 @!p0 $0xFFFFFB00  }
0x89: {  	_ =	sfence.sel $0x180000  }
0x8a: {  	[bflag:$0x0] =	sbarrier.arrive $0xFFFF  }
0x8b: {  	_ =	strace $0x90000047  }
0x8c: {  	s0 =	stileid.u32;
	[bflag:$0x2] =	sbarrier.arrive $0xFFFF  }
0x8d: {  	p0 =	sne.s32 s0, $0x0;
	s0 =	rddreg [dreg:$0x4]  }
0x8e: {  	s0 =	sadd.s32 @!p0 $0x100000, s0  }
0x8f: {  	[sflag:s0] =	ssyncadd.tile.s32 @!p0 $0x1;
	_ =	shalt  }
.Lfunc_end2:
_tile_overlayer_lowered:
.L_overlay_start_2:
0x90: {  	(tag) =	ssettag $0x2  }
0x91: {  	s0 =	rddreg [dreg:$0x0];
	s2 =	stileid.u32  }
0x92: {  	s1 =	rddreg [dreg:$0x1];
	p0 =	sne.s32 s2, $0x0  }
0x93: {  	s3 =	rddreg [dreg:$0x2];
	[bflag:$0x3] =	sbarrier.arrive $0xFFFF;
	s2 =	simm.s32 @!p0 $0x1C02  }
0x94: {  	[timem:s3], [sflag:s2] =	dma.local @!p0 [hbm:s0], s1  }
0x95: {  	s0 =	simm.s32 @!p0 $0x2  }
0x96: {  	_ =	swait.ge @!p0 [sflag:s0], s1  }
0x97: {  	s1 =	ssub.s32 @!p0 $0x0, s1;
	[sflag:s0] =	ssyncset.done @!p0 $0x0  }
0x98: {  	[sflag:s0] =	ssyncadd.s32 @!p0 s1  }
0x99: {  	[bflag:$0x3] =	sbarrier.arrive $0xFFFF  }
0x9a: {  	_ =	shalt  }

</sc_bundles>
